<compile_context>
chip_gen: v7x
topology: tpu7x:2x2x1
jax: 0.10.2.dev20260603
libtpu: 0.0.44.dev20260713+nightly
codegen_flags: <defaults>
</compile_context>

<pallas_src>
import functools

import jax
import jax.numpy as jnp
from jax import lax
from jax.experimental import pallas as pl
from jax.experimental.pallas import tpu as pltpu
from jax.experimental.pallas import tpu_sc as plsc

N = 10000
E = 320000
DIN = 128
DHID = 128
NCLS = 64
EPS = 1e-5

TILES = 16
K = 128
S = 160
EP = TILES * S * K
ZROWS = 632
NACC = TILES * ZROWS



def _make_spmm(C):
    mesh = plsc.VectorSubcoreMesh(core_axis_name="c", subcore_axis_name="s")
    TROWS = N // TILES

    @functools.partial(
        pl.kernel,
        out_type=jax.ShapeDtypeStruct((2, NACC, C), jnp.float32),
        mesh=mesh,
        compiler_params=pltpu.CompilerParams(use_tc_tiling_on_sc=False),
        scratch_types=[
            pltpu.VMEM_SHARED((NACC, C), jnp.float32),
            pltpu.VMEM_SHARED((N, C), jnp.float32),
            pltpu.VMEM((S, K), jnp.int32),
            pltpu.VMEM((S, K), jnp.int32),
            pltpu.VMEM((K, C), jnp.float32),
            pltpu.SemaphoreType.DMA,
        ],
    )
    def spmm(table_h, src_h, dst_h, zeros_h, out_h, acc, table_sh,
             src_v, dst_v, rows_v, sem):
        c = lax.axis_index("c")
        s = lax.axis_index("s")
        p0 = pltpu.async_copy(src_h.at[s], src_v, sem)
        p1 = pltpu.async_copy(dst_h.at[s], dst_v, sem)
        p2 = pltpu.async_copy(table_h.at[c, pl.ds(s * TROWS, TROWS)],
                              table_sh.at[pl.ds(s * TROWS, TROWS)], sem)
        p3 = pltpu.async_copy(zeros_h.at[pl.ds(s * ZROWS, ZROWS)],
                              acc.at[pl.ds(s * ZROWS, ZROWS)], sem)
        p0.wait()
        p1.wait()
        p2.wait()
        p3.wait()
        plsc.subcore_barrier()

        def step(j, carry):
            pltpu.async_copy(table_sh.at[src_v.at[j]], rows_v, sem).wait()
            pltpu.sync_copy(rows_v, acc.at[dst_v.at[j]], add=True)
            return carry

        lax.fori_loop(0, S, step, 0)
        plsc.subcore_barrier()
        pltpu.sync_copy(acc.at[pl.ds(s * ZROWS, ZROWS)],
                        out_h.at[c, pl.ds(s * ZROWS, ZROWS)])

    return spmm


_spmm64 = _make_spmm(DHID // 2)


def _rsqrt16(v):
    half = v * 0.5
    i = plsc.bitcast(v, jnp.int32)
    y = plsc.bitcast(jnp.int32(0x5F3759DF) - (i >> 1), jnp.float32)
    for _ in range(3):
        y = y * (1.5 - half * y * y)
    return y


def _make_spmm_bn():
    C = NCLS // 2
    mesh = plsc.VectorSubcoreMesh(core_axis_name="c", subcore_axis_name="s")
    TROWS = N // TILES

    @functools.partial(
        pl.kernel,
        out_type=jax.ShapeDtypeStruct((N, NCLS), jnp.float32),
        mesh=mesh,
        compiler_params=pltpu.CompilerParams(use_tc_tiling_on_sc=False,
                                             needs_layout_passes=False),
        scratch_types=[
            pltpu.VMEM_SHARED((NACC, C), jnp.float32),
            pltpu.VMEM_SHARED((N, C), jnp.float32),
            pltpu.VMEM_SHARED((TILES, 4, 16), jnp.float32),
            pltpu.VMEM((S, K), jnp.int32),
            pltpu.VMEM((S, K), jnp.int32),
            pltpu.VMEM((K, C), jnp.float32),
            pltpu.VMEM((TROWS, C), jnp.float32),
            pltpu.VMEM((4, 16), jnp.float32),
            pltpu.VMEM((TILES, 4, 16), jnp.float32),
            pltpu.VMEM((C,), jnp.float32),
            pltpu.VMEM((C,), jnp.float32),
            pltpu.SemaphoreType.DMA,
        ],
    )
    def spmm_bn(table_h, src_h, dst_h, zeros_h, g_h, b_h, out_h,
                acc, table_sh, parts_sh,
                src_v, dst_v, rows_v, slab_v, mypart_v, parts_v,
                g_v, b_v, sem):
        c = lax.axis_index("c")
        s = lax.axis_index("s")
        p0 = pltpu.async_copy(src_h.at[s], src_v, sem)
        p1 = pltpu.async_copy(dst_h.at[s], dst_v, sem)
        p2 = pltpu.async_copy(g_h.at[pl.ds(c * C, C)], g_v, sem)
        p3 = pltpu.async_copy(b_h.at[pl.ds(c * C, C)], b_v, sem)
        p4 = pltpu.async_copy(table_h.at[c, pl.ds(s * TROWS, TROWS)],
                              table_sh.at[pl.ds(s * TROWS, TROWS)], sem)
        p5 = pltpu.async_copy(zeros_h.at[pl.ds(s * ZROWS, ZROWS)],
                              acc.at[pl.ds(s * ZROWS, ZROWS)], sem)
        p0.wait()
        p1.wait()
        p2.wait()
        p3.wait()
        p4.wait()
        p5.wait()
        plsc.subcore_barrier()

        def step(j, carry):
            pltpu.async_copy(table_sh.at[src_v.at[j]], rows_v, sem).wait()
            pltpu.sync_copy(rows_v, acc.at[dst_v.at[j]], add=True)
            return carry

        lax.fori_loop(0, S, step, 0)
        plsc.subcore_barrier()

        pltpu.sync_copy(acc.at[pl.ds(s * TROWS, TROWS)], slab_v)
        zv = jnp.zeros((16,), jnp.float32)

        def rbody(i, carry):
            slo, shi, qlo, qhi = carry
            lo = jnp.maximum(slab_v[i, pl.ds(0, 16)], 0.0)
            hi = jnp.maximum(slab_v[i, pl.ds(16, 16)], 0.0)
            slab_v[i, pl.ds(0, 16)] = lo
            slab_v[i, pl.ds(16, 16)] = hi
            return (slo + lo, shi + hi, qlo + lo * lo, qhi + hi * hi)

        slo, shi, qlo, qhi = lax.fori_loop(0, TROWS, rbody, (zv, zv, zv, zv))
        mypart_v[0] = slo
        mypart_v[1] = shi
        mypart_v[2] = qlo
        mypart_v[3] = qhi
        pltpu.sync_copy(mypart_v, parts_sh.at[s])
        plsc.subcore_barrier()
        pltpu.sync_copy(parts_sh, parts_v)

        def red(i, carry):
            a, b2, d, e = carry
            return (a + parts_v[i, 0], b2 + parts_v[i, 1],
                    d + parts_v[i, 2], e + parts_v[i, 3])

        tlo, thi, tqlo, tqhi = lax.fori_loop(0, TILES, red, (zv, zv, zv, zv))
        inv_n = jnp.float32(1.0 / N)
        mlo = tlo * inv_n
        mhi = thi * inv_n
        vlo = tqlo * inv_n - mlo * mlo
        vhi = tqhi * inv_n - mhi * mhi
        sc_lo = _rsqrt16(vlo + EPS) * g_v[pl.ds(0, 16)]
        sc_hi = _rsqrt16(vhi + EPS) * g_v[pl.ds(16, 16)]
        off_lo = b_v[pl.ds(0, 16)] - mlo * sc_lo
        off_hi = b_v[pl.ds(16, 16)] - mhi * sc_hi

        def nbody(i, carry):
            slab_v[i, pl.ds(0, 16)] = slab_v[i, pl.ds(0, 16)] * sc_lo + off_lo
            slab_v[i, pl.ds(16, 16)] = slab_v[i, pl.ds(16, 16)] * sc_hi + off_hi
            return carry

        lax.fori_loop(0, TROWS, nbody, 0)
        pltpu.sync_copy(slab_v,
                        out_h.at[pl.ds(s * TROWS, TROWS), pl.ds(c * C, C)])

    return spmm_bn


_spmm32_bn = _make_spmm_bn()


def _mm_split_kernel(x_ref, w_ref, o_ref):
    o_ref[0] = jnp.dot(x_ref[...], w_ref[0],
                       preferred_element_type=jnp.float32)


def _mid_kernel(p_ref, g_ref, b_ref, w_ref, o_ref):
    def norm(part, g, b):
        hp = jnp.maximum(part, 0.0)
        m = jnp.mean(hp, axis=0, keepdims=True)
        v = jnp.mean((hp - m) ** 2, axis=0, keepdims=True)
        return jnp.maximum((hp - m) * lax.rsqrt(v + EPS) * g + b, 0.0)

    h0 = norm(p_ref[0, :N], g_ref[0], b_ref[0])
    h1 = norm(p_ref[1, :N], g_ref[1], b_ref[1])
    s2 = (jnp.dot(h0, w_ref[0], preferred_element_type=jnp.float32)
          + jnp.dot(h1, w_ref[1], preferred_element_type=jnp.float32))
    o_ref[0] = s2[:, :NCLS // 2]
    o_ref[1] = s2[:, NCLS // 2:]


def kernel(x, edge_index, W1, gamma1, beta1, W2, gamma2, beta2):
    src = edge_index[0].astype(jnp.int32)
    dst = edge_index[1].astype(jnp.int32)
    pad = EP - E
    src_p = jnp.concatenate([src, jnp.zeros((pad,), jnp.int32)])
    dst_p = jnp.concatenate([dst, jnp.full((pad,), N, jnp.int32)])
    src_idx = src_p.reshape(TILES, S, K)
    dst_idx = dst_p.reshape(TILES, S, K)
    zeros64 = jnp.zeros((NACC, DHID // 2), jnp.float32)
    zeros32 = jnp.zeros((NACC, NCLS // 2), jnp.float32)

    support_parts = pl.pallas_call(
        _mm_split_kernel,
        grid=(2, 5),
        in_specs=[pl.BlockSpec((2000, DIN), lambda c, r: (r, 0)),
                  pl.BlockSpec((1, DIN, DHID // 2), lambda c, r: (c, 0, 0))],
        out_specs=pl.BlockSpec((1, 2000, DHID // 2), lambda c, r: (c, r, 0)),
        out_shape=jax.ShapeDtypeStruct((2, N, DHID // 2), jnp.float32),
    )(x, jnp.stack([W1[:, :DHID // 2], W1[:, DHID // 2:]]))

    h1_parts = _spmm64(support_parts, src_idx, dst_idx, zeros64)

    support2_parts = pl.pallas_call(
        _mid_kernel,
        out_shape=jax.ShapeDtypeStruct((2, N, NCLS // 2), jnp.float32),
    )(h1_parts,
      gamma1.reshape(2, 1, DHID // 2),
      beta1.reshape(2, 1, DHID // 2),
      W2.reshape(2, DHID // 2, NCLS))

    out = _spmm32_bn(support2_parts, src_idx, dst_idx, zeros32,
                     gamma2, beta2)
    return out

# --- scband reference (transcript-rebuilt; emitter-appended) ---
"""Pipeline reference for scband-model-19155554140252 (READ-ONLY COPY).

The authoritative reference and input builder live on the scoring server;
editing this copy changes nothing except your own understanding.
"""

import jax, jax.numpy as jnp
import numpy as np

N_NODES = 10000
N_EDGES = 320000
D_IN = 128
D_HID = 128
N_CLS = 64
BN_EPS = 1e-5

def _xavier(key, shape):
    fan_in, fan_out = shape[0], shape[1]
    a = float(np.sqrt(6.0 / (fan_in + fan_out)))
    return jax.random.uniform(key, shape, dtype=jnp.float32, minval=-a, maxval=a)

def setup_inputs(seed: int = 0) -> dict:
    key = jax.random.key(seed)
    k_x, k_e, k_w1, k_w2 = jax.random.split(key, 4)
    x = jax.random.normal(k_x, (N_NODES, D_IN), dtype=jnp.float32)
    edge_index = jax.random.randint(k_e, (2, N_EDGES), 0, N_NODES, dtype=jnp.int64 if jax.config.jax_enable_x64 else jnp.int32)
    W1 = _xavier(k_w1, (D_IN, D_HID))
    gamma1 = jnp.ones((D_HID,), dtype=jnp.float32)
    beta1 = jnp.zeros((D_HID,), dtype=jnp.float32)
    W2 = _xavier(k_w2, (D_HID, N_CLS))
    gamma2 = jnp.ones((N_CLS,), dtype=jnp.float32)
    beta2 = jnp.zeros((N_CLS,), dtype=jnp.float32)
    return {"x": x, "edge_index": edge_index, "W1": W1, "gamma1": gamma1, "beta1": beta1, "W2": W2, "gamma2": gamma2, "beta2": beta2}

def _spmm(edge_index, support):
    # binary sparse adjacency: out[dst] += support[src]
    src = edge_index[0]
    dst = edge_index[1]
    gathered = jnp.take(support, src, axis=0)
    return jax.ops.segment_sum(gathered, dst, num_segments=N_NODES)

def _batchnorm(h, gamma, beta):
    # BatchNorm1d in training mode: batch statistics over axis 0 (biased var)
    mean = jnp.mean(h, axis=0)
    var = jnp.var(h, axis=0)
    return (h - mean) / jnp.sqrt(var + BN_EPS) * gamma + beta

def reference(x, edge_index, W1, gamma1, beta1, W2, gamma2, beta2):
    # conv1 (GNNLayer, active=True)
    support = x @ W1
    h = _spmm(edge_index, support)
    h = jax.nn.relu(h)
    # bn1 + relu
    h = _batchnorm(h, gamma1, beta1)
    h = jax.nn.relu(h)
    # dropout: identity (eval-mode / deterministic reference)
    # conv2 (GNNLayer, active=True)
    support2 = h @ W2
    h2 = _spmm(edge_index, support2)
    h2 = jax.nn.relu(h2)
    # bn2
    out = _batchnorm(h2, gamma2, beta2)
    return out

if __name__ == "__main__":
    import jax
    _d = setup_inputs()
    print(jax.jit(kernel)(*tuple(_d.values())))

</pallas_src>

<mosaic_0001>
#map = affine_map<(d0, d1) -> (0, 0, 0)>
#map1 = affine_map<(d0, d1) -> (0, 0)>
module attributes {stable_mosaic.version = 14 : i64} {
  func.func @spmm(%arg0: i32, %arg1: i32, %arg2: memref<2x10000x64xf32, #tpu.memory_space<hbm>>, %arg3: memref<16x160x128xi32, #tpu.memory_space<hbm>>, %arg4: memref<16x160x128xi32, #tpu.memory_space<hbm>>, %arg5: memref<10112x64xf32, #tpu.memory_space<hbm>>, %arg6: memref<2x10112x64xf32, #tpu.memory_space<hbm>>, %arg7: memref<10112x64xf32, #tpu.memory_space<vmem_shared>>, %arg8: memref<10000x64xf32, #tpu.memory_space<vmem_shared>>, %arg9: memref<160x128xi32, #tpu.memory_space<vmem>>, %arg10: memref<160x128xi32, #tpu.memory_space<vmem>>, %arg11: memref<128x64xf32, #tpu.memory_space<vmem>>, %arg12: memref<!tpu.dma_semaphore, #tpu.memory_space<semaphore_mem>>) attributes {dimension_semantics = [#tpu.dimension_semantics<core_parallel>, #tpu.dimension_semantics<subcore_parallel>], iteration_bounds = array<i64: 2, 16>, scalar_prefetch = 0 : i64, scratch_operands = 6 : i64, tpu.core_type = #tpu.core_type<sc_vector_subcore>, window_params = [{transform_indices = #map}, {transform_indices = #map}, {transform_indices = #map}, {transform_indices = #map1}, {transform_indices = #map}]} {
    %dma_start3A = arith.constant 0 : i32
    %dma_start3A_0 = arith.constant 0 : i32
    %dma_start3A_1 = tpu.memref_slice %arg3[%arg1, %dma_start3A, %dma_start3A_0] : memref<16x160x128xi32, #tpu.memory_space<hbm>> -> memref<1x160x128xi32, #tpu.memory_space<hbm>>
    %dma_start3A_2 = tpu.memref_squeeze %dma_start3A_1 : memref<1x160x128xi32, #tpu.memory_space<hbm>> -> memref<160x128xi32, #tpu.memory_space<hbm>>
    %dma_start3A_3 = arith.constant 0 : i32
    %dma_start3A_4 = arith.constant 0 : i32
    %dma_start3A_5 = tpu.memref_slice %arg3[%arg1, %dma_start3A_3, %dma_start3A_4] : memref<16x160x128xi32, #tpu.memory_space<hbm>> -> memref<1x160x128xi32, #tpu.memory_space<hbm>>
    %dma_start3A_6 = tpu.memref_squeeze %dma_start3A_5 : memref<1x160x128xi32, #tpu.memory_space<hbm>> -> memref<160x128xi32, #tpu.memory_space<hbm>>
    tpu.enqueue_dma source(%dma_start3A_6 : memref<160x128xi32, #tpu.memory_space<hbm>>) target(%arg9 : memref<160x128xi32, #tpu.memory_space<vmem>>) target_semaphore(%arg12 : memref<!tpu.dma_semaphore, #tpu.memory_space<semaphore_mem>>)
    %dma_start3A_7 = arith.constant 0 : i32
    %dma_start3A_8 = arith.constant 0 : i32
    %dma_start3A_9 = tpu.memref_slice %arg4[%arg1, %dma_start3A_7, %dma_start3A_8] : memref<16x160x128xi32, #tpu.memory_space<hbm>> -> memref<1x160x128xi32, #tpu.memory_space<hbm>>
    %dma_start3A_10 = tpu.memref_squeeze %dma_start3A_9 : memref<1x160x128xi32, #tpu.memory_space<hbm>> -> memref<160x128xi32, #tpu.memory_space<hbm>>
    %dma_start3A_11 = arith.constant 0 : i32
    %dma_start3A_12 = arith.constant 0 : i32
    %dma_start3A_13 = tpu.memref_slice %arg4[%arg1, %dma_start3A_11, %dma_start3A_12] : memref<16x160x128xi32, #tpu.memory_space<hbm>> -> memref<1x160x128xi32, #tpu.memory_space<hbm>>
    %dma_start3A_14 = tpu.memref_squeeze %dma_start3A_13 : memref<1x160x128xi32, #tpu.memory_space<hbm>> -> memref<160x128xi32, #tpu.memory_space<hbm>>
    tpu.enqueue_dma source(%dma_start3A_14 : memref<160x128xi32, #tpu.memory_space<hbm>>) target(%arg10 : memref<160x128xi32, #tpu.memory_space<vmem>>) target_semaphore(%arg12 : memref<!tpu.dma_semaphore, #tpu.memory_space<semaphore_mem>>)
    %mul3A = arith.constant 625 : i32
    %mul3A_15 = arith.muli %arg1, %mul3A : i32
    %mul3A_16 = arith.constant 625 : i32
    %mul3A_17 = arith.muli %arg1, %mul3A_16 : i32
    %dma_start3A_18 = arith.constant 0 : i32
    %dma_start3A_19 = tpu.memref_slice %arg8[%mul3A_17, %dma_start3A_18] : memref<10000x64xf32, #tpu.memory_space<vmem_shared>> -> memref<625x64xf32, #tpu.memory_space<vmem_shared>>
    %dma_start3A_20 = arith.constant 0 : i32
    %dma_start3A_21 = tpu.memref_slice %arg2[%arg0, %mul3A_15, %dma_start3A_20] : memref<2x10000x64xf32, #tpu.memory_space<hbm>> -> memref<1x625x64xf32, #tpu.memory_space<hbm>>
    %dma_start3A_22 = tpu.memref_squeeze %dma_start3A_21 : memref<1x625x64xf32, #tpu.memory_space<hbm>> -> memref<625x64xf32, #tpu.memory_space<hbm>>
    tpu.enqueue_dma source(%dma_start3A_22 : memref<625x64xf32, #tpu.memory_space<hbm>>) target(%dma_start3A_19 : memref<625x64xf32, #tpu.memory_space<vmem_shared>>) target_semaphore(%arg12 : memref<!tpu.dma_semaphore, #tpu.memory_space<semaphore_mem>>)
    %mul3A_23 = arith.constant 632 : i32
    %mul3A_24 = arith.muli %arg1, %mul3A_23 : i32
    %mul3A_25 = arith.constant 632 : i32
    %mul3A_26 = arith.muli %arg1, %mul3A_25 : i32
    %dma_start3A_27 = arith.constant 0 : i32
    %dma_start3A_28 = tpu.memref_slice %arg7[%mul3A_26, %dma_start3A_27] : memref<10112x64xf32, #tpu.memory_space<vmem_shared>> -> memref<632x64xf32, #tpu.memory_space<vmem_shared>>
    %dma_start3A_29 = arith.constant 0 : i32
    %dma_start3A_30 = tpu.memref_slice %arg5[%mul3A_24, %dma_start3A_29] : memref<10112x64xf32, #tpu.memory_space<hbm>> -> memref<632x64xf32, #tpu.memory_space<hbm>>
    tpu.enqueue_dma source(%dma_start3A_30 : memref<632x64xf32, #tpu.memory_space<hbm>>) target(%dma_start3A_28 : memref<632x64xf32, #tpu.memory_space<vmem_shared>>) target_semaphore(%arg12 : memref<!tpu.dma_semaphore, #tpu.memory_space<semaphore_mem>>)
    %dma_wait3A = arith.constant 0 : i32
    %dma_wait3A_31 = arith.constant 0 : i32
    %dma_wait3A_32 = tpu.memref_slice %arg3[%arg1, %dma_wait3A, %dma_wait3A_31] : memref<16x160x128xi32, #tpu.memory_space<hbm>> -> memref<1x160x128xi32, #tpu.memory_space<hbm>>
    %dma_wait3A_33 = tpu.memref_squeeze %dma_wait3A_32 : memref<1x160x128xi32, #tpu.memory_space<hbm>> -> memref<160x128xi32, #tpu.memory_space<hbm>>
    %dma_wait3A_34 = arith.constant 0 : i32
    %dma_wait3A_35 = arith.constant 0 : i32
    %dma_wait3A_36 = tpu.memref_slice %arg3[%arg1, %dma_wait3A_34, %dma_wait3A_35] : memref<16x160x128xi32, #tpu.memory_space<hbm>> -> memref<1x160x128xi32, #tpu.memory_space<hbm>>
    %dma_wait3A_37 = tpu.memref_squeeze %dma_wait3A_36 : memref<1x160x128xi32, #tpu.memory_space<hbm>> -> memref<160x128xi32, #tpu.memory_space<hbm>>
    tpu.wait_dma2 semaphore(%arg12 : memref<!tpu.dma_semaphore, #tpu.memory_space<semaphore_mem>>) src(%dma_wait3A_37 : memref<160x128xi32, #tpu.memory_space<hbm>>) dst(%arg9 : memref<160x128xi32, #tpu.memory_space<vmem>>)
    %dma_wait3A_38 = arith.constant 0 : i32
    %dma_wait3A_39 = arith.constant 0 : i32
    %dma_wait3A_40 = tpu.memref_slice %arg4[%arg1, %dma_wait3A_38, %dma_wait3A_39] : memref<16x160x128xi32, #tpu.memory_space<hbm>> -> memref<1x160x128xi32, #tpu.memory_space<hbm>>
    %dma_wait3A_41 = tpu.memref_squeeze %dma_wait3A_40 : memref<1x160x128xi32, #tpu.memory_space<hbm>> -> memref<160x128xi32, #tpu.memory_space<hbm>>
    %dma_wait3A_42 = arith.constant 0 : i32
    %dma_wait3A_43 = arith.constant 0 : i32
    %dma_wait3A_44 = tpu.memref_slice %arg4[%arg1, %dma_wait3A_42, %dma_wait3A_43] : memref<16x160x128xi32, #tpu.memory_space<hbm>> -> memref<1x160x128xi32, #tpu.memory_space<hbm>>
    %dma_wait3A_45 = tpu.memref_squeeze %dma_wait3A_44 : memref<1x160x128xi32, #tpu.memory_space<hbm>> -> memref<160x128xi32, #tpu.memory_space<hbm>>
    tpu.wait_dma2 semaphore(%arg12 : memref<!tpu.dma_semaphore, #tpu.memory_space<semaphore_mem>>) src(%dma_wait3A_45 : memref<160x128xi32, #tpu.memory_space<hbm>>) dst(%arg10 : memref<160x128xi32, #tpu.memory_space<vmem>>)
    %dma_wait3A_46 = arith.constant 0 : i32
    %dma_wait3A_47 = tpu.memref_slice %arg8[%mul3A_17, %dma_wait3A_46] : memref<10000x64xf32, #tpu.memory_space<vmem_shared>> -> memref<625x64xf32, #tpu.memory_space<vmem_shared>>
    %dma_wait3A_48 = arith.constant 0 : i32
    %dma_wait3A_49 = tpu.memref_slice %arg2[%arg0, %mul3A_15, %dma_wait3A_48] : memref<2x10000x64xf32, #tpu.memory_space<hbm>> -> memref<1x625x64xf32, #tpu.memory_space<hbm>>
    %dma_wait3A_50 = tpu.memref_squeeze %dma_wait3A_49 : memref<1x625x64xf32, #tpu.memory_space<hbm>> -> memref<625x64xf32, #tpu.memory_space<hbm>>
    tpu.wait_dma2 semaphore(%arg12 : memref<!tpu.dma_semaphore, #tpu.memory_space<semaphore_mem>>) src(%dma_wait3A_50 : memref<625x64xf32, #tpu.memory_space<hbm>>) dst(%dma_wait3A_47 : memref<625x64xf32, #tpu.memory_space<vmem_shared>>)
    %dma_wait3A_51 = arith.constant 0 : i32
    %dma_wait3A_52 = tpu.memref_slice %arg7[%mul3A_26, %dma_wait3A_51] : memref<10112x64xf32, #tpu.memory_space<vmem_shared>> -> memref<632x64xf32, #tpu.memory_space<vmem_shared>>
    %dma_wait3A_53 = arith.constant 0 : i32
    %dma_wait3A_54 = tpu.memref_slice %arg5[%mul3A_24, %dma_wait3A_53] : memref<10112x64xf32, #tpu.memory_space<hbm>> -> memref<632x64xf32, #tpu.memory_space<hbm>>
    tpu.wait_dma2 semaphore(%arg12 : memref<!tpu.dma_semaphore, #tpu.memory_space<semaphore_mem>>) src(%dma_wait3A_54 : memref<632x64xf32, #tpu.memory_space<hbm>>) dst(%dma_wait3A_52 : memref<632x64xf32, #tpu.memory_space<vmem_shared>>)
    %barrier3A = arith.constant 0 : index
    tpu.barrier barrier_id(%barrier3A)
    %scan3A = arith.constant 0 : i32
    %scan3A_55 = arith.constant 0 : i32
    %scan3A_56 = arith.constant 160 : i32
    %scan3A_57 = arith.addi %scan3A_55, %scan3A_56 : i32
    %scan3A_58 = arith.constant 1 : i32
    scf.for %scan3A_65 = %scan3A_55 to %scan3A_57 step %scan3A_58  : i32 {
      %dma_start3A_66 = arith.constant 0 : i32
      %dma_start3A_67 = tpu.memref_slice %arg9[%scan3A_65, %dma_start3A_66] : memref<160x128xi32, #tpu.memory_space<vmem>> -> memref<1x128xi32, #tpu.memory_space<vmem>>
      %dma_start3A_68 = tpu.memref_squeeze %dma_start3A_67 : memref<1x128xi32, #tpu.memory_space<vmem>> -> memref<128xi32, #tpu.memory_space<vmem>>
      %dma_start3A_69 = arith.constant 0 : i32
      %dma_start3A_70 = arith.constant 0 : i32
      %dma_start3A_71 = tpu.memref_slice %arg8[%dma_start3A_69, %dma_start3A_70] : memref<10000x64xf32, #tpu.memory_space<vmem_shared>> -> memref<10000x64xf32, #tpu.memory_space<vmem_shared>>
      tpu.enqueue_indirect_dma source(%dma_start3A_71 : memref<10000x64xf32, #tpu.memory_space<vmem_shared>>) target(%arg11 : memref<128x64xf32, #tpu.memory_space<vmem>>) offsets(%dma_start3A_68 : memref<128xi32, #tpu.memory_space<vmem>>) semaphore(%arg12 : memref<!tpu.dma_semaphore, #tpu.memory_space<semaphore_mem>>)
      %dma_wait3A_72 = arith.constant 0 : i32
      %dma_wait3A_73 = tpu.memref_slice %arg9[%scan3A_65, %dma_wait3A_72] : memref<160x128xi32, #tpu.memory_space<vmem>> -> memref<1x128xi32, #tpu.memory_space<vmem>>
      %dma_wait3A_74 = tpu.memref_squeeze %dma_wait3A_73 : memref<1x128xi32, #tpu.memory_space<vmem>> -> memref<128xi32, #tpu.memory_space<vmem>>
      %dma_wait3A_75 = arith.constant 0 : i32
      %dma_wait3A_76 = arith.constant 0 : i32
      %dma_wait3A_77 = tpu.memref_slice %arg8[%dma_wait3A_75, %dma_wait3A_76] : memref<10000x64xf32, #tpu.memory_space<vmem_shared>> -> memref<10000x64xf32, #tpu.memory_space<vmem_shared>>
      tpu.wait_indirect_dma semaphore(%arg12 : memref<!tpu.dma_semaphore, #tpu.memory_space<semaphore_mem>>) src(%dma_wait3A_77 : memref<10000x64xf32, #tpu.memory_space<vmem_shared>>) dst(%arg11 : memref<128x64xf32, #tpu.memory_space<vmem>>)
      "tpu.region"() ({
        %run_scoped3A = tpu.sem_alloc : memref<!tpu.dma_semaphore, #tpu.memory_space<semaphore_mem>>
        %dma_start3A_78 = arith.constant 0 : i32
        %dma_start3A_79 = tpu.memref_slice %arg10[%scan3A_65, %dma_start3A_78] : memref<160x128xi32, #tpu.memory_space<vmem>> -> memref<1x128xi32, #tpu.memory_space<vmem>>
        %dma_start3A_80 = tpu.memref_squeeze %dma_start3A_79 : memref<1x128xi32, #tpu.memory_space<vmem>> -> memref<128xi32, #tpu.memory_space<vmem>>
        %dma_start3A_81 = arith.constant 0 : i32
        %dma_start3A_82 = arith.constant 0 : i32
        %dma_start3A_83 = tpu.memref_slice %arg7[%dma_start3A_81, %dma_start3A_82] : memref<10112x64xf32, #tpu.memory_space<vmem_shared>> -> memref<10112x64xf32, #tpu.memory_space<vmem_shared>>
        tpu.enqueue_indirect_dma source(%arg11 : memref<128x64xf32, #tpu.memory_space<vmem>>) target(%dma_start3A_83 : memref<10112x64xf32, #tpu.memory_space<vmem_shared>>) offsets(%dma_start3A_80 : memref<128xi32, #tpu.memory_space<vmem>>) semaphore(%run_scoped3A : memref<!tpu.dma_semaphore, #tpu.memory_space<semaphore_mem>>) {add = true}
        %dma_wait3A_84 = arith.constant 0 : i32
        %dma_wait3A_85 = tpu.memref_slice %arg10[%scan3A_65, %dma_wait3A_84] : memref<160x128xi32, #tpu.memory_space<vmem>> -> memref<1x128xi32, #tpu.memory_space<vmem>>
        %dma_wait3A_86 = tpu.memref_squeeze %dma_wait3A_85 : memref<1x128xi32, #tpu.memory_space<vmem>> -> memref<128xi32, #tpu.memory_space<vmem>>
        %dma_wait3A_87 = arith.constant 0 : i32
        %dma_wait3A_88 = arith.constant 0 : i32
        %dma_wait3A_89 = tpu.memref_slice %arg7[%dma_wait3A_87, %dma_wait3A_88] : memref<10112x64xf32, #tpu.memory_space<vmem_shared>> -> memref<10112x64xf32, #tpu.memory_space<vmem_shared>>
        tpu.wait_indirect_dma semaphore(%run_scoped3A : memref<!tpu.dma_semaphore, #tpu.memory_space<semaphore_mem>>) src(%arg11 : memref<128x64xf32, #tpu.memory_space<vmem>>) dst(%dma_wait3A_89 : memref<10112x64xf32, #tpu.memory_space<vmem_shared>>)
        tpu.yield
      }) : () -> ()
    }
    %scan3A_59 = arith.constant 160 : i32
    %barrier3A_60 = arith.constant 0 : index
    tpu.barrier barrier_id(%barrier3A_60)
    %mul3A_61 = arith.constant 632 : i32
    %mul3A_62 = arith.muli %arg1, %mul3A_61 : i32
    %mul3A_63 = arith.constant 632 : i32
    %mul3A_64 = arith.muli %arg1, %mul3A_63 : i32
    "tpu.region"() ({
      %run_scoped3A = tpu.sem_alloc : memref<!tpu.dma_semaphore, #tpu.memory_space<semaphore_mem>>
      %dma_start3A_65 = arith.constant 0 : i32
      %dma_start3A_66 = tpu.memref_slice %arg6[%arg0, %mul3A_64, %dma_start3A_65] : memref<2x10112x64xf32, #tpu.memory_space<hbm>> -> memref<1x632x64xf32, #tpu.memory_space<hbm>>
      %dma_start3A_67 = tpu.memref_squeeze %dma_start3A_66 : memref<1x632x64xf32, #tpu.memory_space<hbm>> -> memref<632x64xf32, #tpu.memory_space<hbm>>
      %dma_start3A_68 = arith.constant 0 : i32
      %dma_start3A_69 = tpu.memref_slice %arg7[%mul3A_62, %dma_start3A_68] : memref<10112x64xf32, #tpu.memory_space<vmem_shared>> -> memref<632x64xf32, #tpu.memory_space<vmem_shared>>
      tpu.enqueue_dma source(%dma_start3A_69 : memref<632x64xf32, #tpu.memory_space<vmem_shared>>) target(%dma_start3A_67 : memref<632x64xf32, #tpu.memory_space<hbm>>) target_semaphore(%run_scoped3A : memref<!tpu.dma_semaphore, #tpu.memory_space<semaphore_mem>>)
      %dma_wait3A_70 = arith.constant 0 : i32
      %dma_wait3A_71 = tpu.memref_slice %arg6[%arg0, %mul3A_64, %dma_wait3A_70] : memref<2x10112x64xf32, #tpu.memory_space<hbm>> -> memref<1x632x64xf32, #tpu.memory_space<hbm>>
      %dma_wait3A_72 = tpu.memref_squeeze %dma_wait3A_71 : memref<1x632x64xf32, #tpu.memory_space<hbm>> -> memref<632x64xf32, #tpu.memory_space<hbm>>
      %dma_wait3A_73 = arith.constant 0 : i32
      %dma_wait3A_74 = tpu.memref_slice %arg7[%mul3A_62, %dma_wait3A_73] : memref<10112x64xf32, #tpu.memory_space<vmem_shared>> -> memref<632x64xf32, #tpu.memory_space<vmem_shared>>
      tpu.wait_dma2 semaphore(%run_scoped3A : memref<!tpu.dma_semaphore, #tpu.memory_space<semaphore_mem>>) src(%dma_wait3A_74 : memref<632x64xf32, #tpu.memory_space<vmem_shared>>) dst(%dma_wait3A_72 : memref<632x64xf32, #tpu.memory_space<hbm>>)
      tpu.yield
    }) : () -> ()
    return
  }
}

#map = affine_map<(d0, d1) -> (0, 0, 0)>
#map1 = affine_map<(d0, d1) -> (0, 0)>
#map2 = affine_map<(d0, d1) -> (0)>
module attributes {stable_mosaic.version = 14 : i64} {
  func.func @spmm_bn(%arg0: i32, %arg1: i32, %arg2: memref<2x10000x32xf32, #tpu.memory_space<hbm>>, %arg3: memref<16x160x128xi32, #tpu.memory_space<hbm>>, %arg4: memref<16x160x128xi32, #tpu.memory_space<hbm>>, %arg5: memref<10112x32xf32, #tpu.memory_space<hbm>>, %arg6: memref<64xf32, #tpu.memory_space<hbm>>, %arg7: memref<64xf32, #tpu.memory_space<hbm>>, %arg8: memref<10000x64xf32, #tpu.memory_space<hbm>>, %arg9: memref<10112x32xf32, #tpu.memory_space<vmem_shared>>, %arg10: memref<10000x32xf32, #tpu.memory_space<vmem_shared>>, %arg11: memref<16x4x16xf32, #tpu.memory_space<vmem_shared>>, %arg12: memref<160x128xi32, #tpu.memory_space<vmem>>, %arg13: memref<160x128xi32, #tpu.memory_space<vmem>>, %arg14: memref<128x32xf32, #tpu.memory_space<vmem>>, %arg15: memref<625x32xf32, #tpu.memory_space<vmem>>, %arg16: memref<4x16xf32, #tpu.memory_space<vmem>>, %arg17: memref<16x4x16xf32, #tpu.memory_space<vmem>>, %arg18: memref<32xf32, #tpu.memory_space<vmem>>, %arg19: memref<32xf32, #tpu.memory_space<vmem>>, %arg20: memref<!tpu.dma_semaphore, #tpu.memory_space<semaphore_mem>>) attributes {dimension_semantics = [#tpu.dimension_semantics<core_parallel>, #tpu.dimension_semantics<subcore_parallel>], iteration_bounds = array<i64: 2, 16>, scalar_prefetch = 0 : i64, scratch_operands = 12 : i64, tpu.core_type = #tpu.core_type<sc_vector_subcore>, window_params = [{transform_indices = #map}, {transform_indices = #map}, {transform_indices = #map}, {transform_indices = #map1}, {transform_indices = #map2}, {transform_indices = #map2}, {transform_indices = #map1}]} {
    %dma_start3A = arith.constant 0 : i32
    %dma_start3A_0 = arith.constant 0 : i32
    %dma_start3A_1 = tpu.memref_slice %arg3[%arg1, %dma_start3A, %dma_start3A_0] : memref<16x160x128xi32, #tpu.memory_space<hbm>> -> memref<1x160x128xi32, #tpu.memory_space<hbm>>
    %dma_start3A_2 = tpu.memref_squeeze %dma_start3A_1 : memref<1x160x128xi32, #tpu.memory_space<hbm>> -> memref<160x128xi32, #tpu.memory_space<hbm>>
    %dma_start3A_3 = arith.constant 0 : i32
    %dma_start3A_4 = arith.constant 0 : i32
    %dma_start3A_5 = tpu.memref_slice %arg3[%arg1, %dma_start3A_3, %dma_start3A_4] : memref<16x160x128xi32, #tpu.memory_space<hbm>> -> memref<1x160x128xi32, #tpu.memory_space<hbm>>
    %dma_start3A_6 = tpu.memref_squeeze %dma_start3A_5 : memref<1x160x128xi32, #tpu.memory_space<hbm>> -> memref<160x128xi32, #tpu.memory_space<hbm>>
    tpu.enqueue_dma source(%dma_start3A_6 : memref<160x128xi32, #tpu.memory_space<hbm>>) target(%arg12 : memref<160x128xi32, #tpu.memory_space<vmem>>) target_semaphore(%arg20 : memref<!tpu.dma_semaphore, #tpu.memory_space<semaphore_mem>>)
    %dma_start3A_7 = arith.constant 0 : i32
    %dma_start3A_8 = arith.constant 0 : i32
    %dma_start3A_9 = tpu.memref_slice %arg4[%arg1, %dma_start3A_7, %dma_start3A_8] : memref<16x160x128xi32, #tpu.memory_space<hbm>> -> memref<1x160x128xi32, #tpu.memory_space<hbm>>
    %dma_start3A_10 = tpu.memref_squeeze %dma_start3A_9 : memref<1x160x128xi32, #tpu.memory_space<hbm>> -> memref<160x128xi32, #tpu.memory_space<hbm>>
    %dma_start3A_11 = arith.constant 0 : i32
    %dma_start3A_12 = arith.constant 0 : i32
    %dma_start3A_13 = tpu.memref_slice %arg4[%arg1, %dma_start3A_11, %dma_start3A_12] : memref<16x160x128xi32, #tpu.memory_space<hbm>> -> memref<1x160x128xi32, #tpu.memory_space<hbm>>
    %dma_start3A_14 = tpu.memref_squeeze %dma_start3A_13 : memref<1x160x128xi32, #tpu.memory_space<hbm>> -> memref<160x128xi32, #tpu.memory_space<hbm>>
    tpu.enqueue_dma source(%dma_start3A_14 : memref<160x128xi32, #tpu.memory_space<hbm>>) target(%arg13 : memref<160x128xi32, #tpu.memory_space<vmem>>) target_semaphore(%arg20 : memref<!tpu.dma_semaphore, #tpu.memory_space<semaphore_mem>>)
    %mul3A = arith.constant 32 : i32
    %mul3A_15 = arith.muli %arg0, %mul3A : i32
    %dma_start3A_16 = tpu.memref_slice %arg6[%mul3A_15] : memref<64xf32, #tpu.memory_space<hbm>> -> memref<32xf32, #tpu.memory_space<hbm>>
    %dma_start3A_17 = tpu.memref_slice %arg6[%mul3A_15] : memref<64xf32, #tpu.memory_space<hbm>> -> memref<32xf32, #tpu.memory_space<hbm>>
    tpu.enqueue_dma source(%dma_start3A_17 : memref<32xf32, #tpu.memory_space<hbm>>) target(%arg18 : memref<32xf32, #tpu.memory_space<vmem>>) target_semaphore(%arg20 : memref<!tpu.dma_semaphore, #tpu.memory_space<semaphore_mem>>)
    %mul3A_18 = arith.constant 32 : i32
    %mul3A_19 = arith.muli %arg0, %mul3A_18 : i32
    %dma_start3A_20 = tpu.memref_slice %arg7[%mul3A_19] : memref<64xf32, #tpu.memory_space<hbm>> -> memref<32xf32, #tpu.memory_space<hbm>>
    %dma_start3A_21 = tpu.memref_slice %arg7[%mul3A_19] : memref<64xf32, #tpu.memory_space<hbm>> -> memref<32xf32, #tpu.memory_space<hbm>>
    tpu.enqueue_dma source(%dma_start3A_21 : memref<32xf32, #tpu.memory_space<hbm>>) target(%arg19 : memref<32xf32, #tpu.memory_space<vmem>>) target_semaphore(%arg20 : memref<!tpu.dma_semaphore, #tpu.memory_space<semaphore_mem>>)
    %mul3A_22 = arith.constant 625 : i32
    %mul3A_23 = arith.muli %arg1, %mul3A_22 : i32
    %mul3A_24 = arith.constant 625 : i32
    %mul3A_25 = arith.muli %arg1, %mul3A_24 : i32
    %dma_start3A_26 = arith.constant 0 : i32
    %dma_start3A_27 = tpu.memref_slice %arg10[%mul3A_25, %dma_start3A_26] : memref<10000x32xf32, #tpu.memory_space<vmem_shared>> -> memref<625x32xf32, #tpu.memory_space<vmem_shared>>
    %dma_start3A_28 = arith.constant 0 : i32
    %dma_start3A_29 = tpu.memref_slice %arg2[%arg0, %mul3A_23, %dma_start3A_28] : memref<2x10000x32xf32, #tpu.memory_space<hbm>> -> memref<1x625x32xf32, #tpu.memory_space<hbm>>
    %dma_start3A_30 = tpu.memref_squeeze %dma_start3A_29 : memref<1x625x32xf32, #tpu.memory_space<hbm>> -> memref<625x32xf32, #tpu.memory_space<hbm>>
    tpu.enqueue_dma source(%dma_start3A_30 : memref<625x32xf32, #tpu.memory_space<hbm>>) target(%dma_start3A_27 : memref<625x32xf32, #tpu.memory_space<vmem_shared>>) target_semaphore(%arg20 : memref<!tpu.dma_semaphore, #tpu.memory_space<semaphore_mem>>)
    %mul3A_31 = arith.constant 632 : i32
    %mul3A_32 = arith.muli %arg1, %mul3A_31 : i32
    %mul3A_33 = arith.constant 632 : i32
    %mul3A_34 = arith.muli %arg1, %mul3A_33 : i32
    %dma_start3A_35 = arith.constant 0 : i32
    %dma_start3A_36 = tpu.memref_slice %arg9[%mul3A_34, %dma_start3A_35] : memref<10112x32xf32, #tpu.memory_space<vmem_shared>> -> memref<632x32xf32, #tpu.memory_space<vmem_shared>>
    %dma_start3A_37 = arith.constant 0 : i32
    %dma_start3A_38 = tpu.memref_slice %arg5[%mul3A_32, %dma_start3A_37] : memref<10112x32xf32, #tpu.memory_space<hbm>> -> memref<632x32xf32, #tpu.memory_space<hbm>>
    tpu.enqueue_dma source(%dma_start3A_38 : memref<632x32xf32, #tpu.memory_space<hbm>>) target(%dma_start3A_36 : memref<632x32xf32, #tpu.memory_space<vmem_shared>>) target_semaphore(%arg20 : memref<!tpu.dma_semaphore, #tpu.memory_space<semaphore_mem>>)
    %dma_wait3A = arith.constant 0 : i32
    %dma_wait3A_39 = arith.constant 0 : i32
    %dma_wait3A_40 = tpu.memref_slice %arg3[%arg1, %dma_wait3A, %dma_wait3A_39] : memref<16x160x128xi32, #tpu.memory_space<hbm>> -> memref<1x160x128xi32, #tpu.memory_space<hbm>>
    %dma_wait3A_41 = tpu.memref_squeeze %dma_wait3A_40 : memref<1x160x128xi32, #tpu.memory_space<hbm>> -> memref<160x128xi32, #tpu.memory_space<hbm>>
    %dma_wait3A_42 = arith.constant 0 : i32
    %dma_wait3A_43 = arith.constant 0 : i32
    %dma_wait3A_44 = tpu.memref_slice %arg3[%arg1, %dma_wait3A_42, %dma_wait3A_43] : memref<16x160x128xi32, #tpu.memory_space<hbm>> -> memref<1x160x128xi32, #tpu.memory_space<hbm>>
    %dma_wait3A_45 = tpu.memref_squeeze %dma_wait3A_44 : memref<1x160x128xi32, #tpu.memory_space<hbm>> -> memref<160x128xi32, #tpu.memory_space<hbm>>
    tpu.wait_dma2 semaphore(%arg20 : memref<!tpu.dma_semaphore, #tpu.memory_space<semaphore_mem>>) src(%dma_wait3A_45 : memref<160x128xi32, #tpu.memory_space<hbm>>) dst(%arg12 : memref<160x128xi32, #tpu.memory_space<vmem>>)
    %dma_wait3A_46 = arith.constant 0 : i32
    %dma_wait3A_47 = arith.constant 0 : i32
    %dma_wait3A_48 = tpu.memref_slice %arg4[%arg1, %dma_wait3A_46, %dma_wait3A_47] : memref<16x160x128xi32, #tpu.memory_space<hbm>> -> memref<1x160x128xi32, #tpu.memory_space<hbm>>
    %dma_wait3A_49 = tpu.memref_squeeze %dma_wait3A_48 : memref<1x160x128xi32, #tpu.memory_space<hbm>> -> memref<160x128xi32, #tpu.memory_space<hbm>>
    %dma_wait3A_50 = arith.constant 0 : i32
    %dma_wait3A_51 = arith.constant 0 : i32
    %dma_wait3A_52 = tpu.memref_slice %arg4[%arg1, %dma_wait3A_50, %dma_wait3A_51] : memref<16x160x128xi32, #tpu.memory_space<hbm>> -> memref<1x160x128xi32, #tpu.memory_space<hbm>>
    %dma_wait3A_53 = tpu.memref_squeeze %dma_wait3A_52 : memref<1x160x128xi32, #tpu.memory_space<hbm>> -> memref<160x128xi32, #tpu.memory_space<hbm>>
    tpu.wait_dma2 semaphore(%arg20 : memref<!tpu.dma_semaphore, #tpu.memory_space<semaphore_mem>>) src(%dma_wait3A_53 : memref<160x128xi32, #tpu.memory_space<hbm>>) dst(%arg13 : memref<160x128xi32, #tpu.memory_space<vmem>>)
    %dma_wait3A_54 = tpu.memref_slice %arg6[%mul3A_15] : memref<64xf32, #tpu.memory_space<hbm>> -> memref<32xf32, #tpu.memory_space<hbm>>
    %dma_wait3A_55 = tpu.memref_slice %arg6[%mul3A_15] : memref<64xf32, #tpu.memory_space<hbm>> -> memref<32xf32, #tpu.memory_space<hbm>>
    tpu.wait_dma2 semaphore(%arg20 : memref<!tpu.dma_semaphore, #tpu.memory_space<semaphore_mem>>) src(%dma_wait3A_55 : memref<32xf32, #tpu.memory_space<hbm>>) dst(%arg18 : memref<32xf32, #tpu.memory_space<vmem>>)
    %dma_wait3A_56 = tpu.memref_slice %arg7[%mul3A_19] : memref<64xf32, #tpu.memory_space<hbm>> -> memref<32xf32, #tpu.memory_space<hbm>>
    %dma_wait3A_57 = tpu.memref_slice %arg7[%mul3A_19] : memref<64xf32, #tpu.memory_space<hbm>> -> memref<32xf32, #tpu.memory_space<hbm>>
    tpu.wait_dma2 semaphore(%arg20 : memref<!tpu.dma_semaphore, #tpu.memory_space<semaphore_mem>>) src(%dma_wait3A_57 : memref<32xf32, #tpu.memory_space<hbm>>) dst(%arg19 : memref<32xf32, #tpu.memory_space<vmem>>)
    %dma_wait3A_58 = arith.constant 0 : i32
    %dma_wait3A_59 = tpu.memref_slice %arg10[%mul3A_25, %dma_wait3A_58] : memref<10000x32xf32, #tpu.memory_space<vmem_shared>> -> memref<625x32xf32, #tpu.memory_space<vmem_shared>>
    %dma_wait3A_60 = arith.constant 0 : i32
    %dma_wait3A_61 = tpu.memref_slice %arg2[%arg0, %mul3A_23, %dma_wait3A_60] : memref<2x10000x32xf32, #tpu.memory_space<hbm>> -> memref<1x625x32xf32, #tpu.memory_space<hbm>>
    %dma_wait3A_62 = tpu.memref_squeeze %dma_wait3A_61 : memref<1x625x32xf32, #tpu.memory_space<hbm>> -> memref<625x32xf32, #tpu.memory_space<hbm>>
    tpu.wait_dma2 semaphore(%arg20 : memref<!tpu.dma_semaphore, #tpu.memory_space<semaphore_mem>>) src(%dma_wait3A_62 : memref<625x32xf32, #tpu.memory_space<hbm>>) dst(%dma_wait3A_59 : memref<625x32xf32, #tpu.memory_space<vmem_shared>>)
    %dma_wait3A_63 = arith.constant 0 : i32
    %dma_wait3A_64 = tpu.memref_slice %arg9[%mul3A_34, %dma_wait3A_63] : memref<10112x32xf32, #tpu.memory_space<vmem_shared>> -> memref<632x32xf32, #tpu.memory_space<vmem_shared>>
    %dma_wait3A_65 = arith.constant 0 : i32
    %dma_wait3A_66 = tpu.memref_slice %arg5[%mul3A_32, %dma_wait3A_65] : memref<10112x32xf32, #tpu.memory_space<hbm>> -> memref<632x32xf32, #tpu.memory_space<hbm>>
    tpu.wait_dma2 semaphore(%arg20 : memref<!tpu.dma_semaphore, #tpu.memory_space<semaphore_mem>>) src(%dma_wait3A_66 : memref<632x32xf32, #tpu.memory_space<hbm>>) dst(%dma_wait3A_64 : memref<632x32xf32, #tpu.memory_space<vmem_shared>>)
    %barrier3A = arith.constant 0 : index
    tpu.barrier barrier_id(%barrier3A)
    %scan3A = arith.constant 0 : i32
    %scan3A_67 = arith.constant 0 : i32
    %scan3A_68 = arith.constant 160 : i32
    %scan3A_69 = arith.addi %scan3A_67, %scan3A_68 : i32
    %scan3A_70 = arith.constant 1 : i32
    scf.for %scan3A_203 = %scan3A_67 to %scan3A_69 step %scan3A_70  : i32 {
      %dma_start3A_204 = arith.constant 0 : i32
      %dma_start3A_205 = tpu.memref_slice %arg12[%scan3A_203, %dma_start3A_204] : memref<160x128xi32, #tpu.memory_space<vmem>> -> memref<1x128xi32, #tpu.memory_space<vmem>>
      %dma_start3A_206 = tpu.memref_squeeze %dma_start3A_205 : memref<1x128xi32, #tpu.memory_space<vmem>> -> memref<128xi32, #tpu.memory_space<vmem>>
      %dma_start3A_207 = arith.constant 0 : i32
      %dma_start3A_208 = arith.constant 0 : i32
      %dma_start3A_209 = tpu.memref_slice %arg10[%dma_start3A_207, %dma_start3A_208] : memref<10000x32xf32, #tpu.memory_space<vmem_shared>> -> memref<10000x32xf32, #tpu.memory_space<vmem_shared>>
      tpu.enqueue_indirect_dma source(%dma_start3A_209 : memref<10000x32xf32, #tpu.memory_space<vmem_shared>>) target(%arg14 : memref<128x32xf32, #tpu.memory_space<vmem>>) offsets(%dma_start3A_206 : memref<128xi32, #tpu.memory_space<vmem>>) semaphore(%arg20 : memref<!tpu.dma_semaphore, #tpu.memory_space<semaphore_mem>>)
      %dma_wait3A_210 = arith.constant 0 : i32
      %dma_wait3A_211 = tpu.memref_slice %arg12[%scan3A_203, %dma_wait3A_210] : memref<160x128xi32, #tpu.memory_space<vmem>> -> memref<1x128xi32, #tpu.memory_space<vmem>>
      %dma_wait3A_212 = tpu.memref_squeeze %dma_wait3A_211 : memref<1x128xi32, #tpu.memory_space<vmem>> -> memref<128xi32, #tpu.memory_space<vmem>>
      %dma_wait3A_213 = arith.constant 0 : i32
      %dma_wait3A_214 = arith.constant 0 : i32
      %dma_wait3A_215 = tpu.memref_slice %arg10[%dma_wait3A_213, %dma_wait3A_214] : memref<10000x32xf32, #tpu.memory_space<vmem_shared>> -> memref<10000x32xf32, #tpu.memory_space<vmem_shared>>
      tpu.wait_indirect_dma semaphore(%arg20 : memref<!tpu.dma_semaphore, #tpu.memory_space<semaphore_mem>>) src(%dma_wait3A_215 : memref<10000x32xf32, #tpu.memory_space<vmem_shared>>) dst(%arg14 : memref<128x32xf32, #tpu.memory_space<vmem>>)
      "tpu.region"() ({
        %run_scoped3A = tpu.sem_alloc : memref<!tpu.dma_semaphore, #tpu.memory_space<semaphore_mem>>
        %dma_start3A_216 = arith.constant 0 : i32
        %dma_start3A_217 = tpu.memref_slice %arg13[%scan3A_203, %dma_start3A_216] : memref<160x128xi32, #tpu.memory_space<vmem>> -> memref<1x128xi32, #tpu.memory_space<vmem>>
        %dma_start3A_218 = tpu.memref_squeeze %dma_start3A_217 : memref<1x128xi32, #tpu.memory_space<vmem>> -> memref<128xi32, #tpu.memory_space<vmem>>
        %dma_start3A_219 = arith.constant 0 : i32
        %dma_start3A_220 = arith.constant 0 : i32
        %dma_start3A_221 = tpu.memref_slice %arg9[%dma_start3A_219, %dma_start3A_220] : memref<10112x32xf32, #tpu.memory_space<vmem_shared>> -> memref<10112x32xf32, #tpu.memory_space<vmem_shared>>
        tpu.enqueue_indirect_dma source(%arg14 : memref<128x32xf32, #tpu.memory_space<vmem>>) target(%dma_start3A_221 : memref<10112x32xf32, #tpu.memory_space<vmem_shared>>) offsets(%dma_start3A_218 : memref<128xi32, #tpu.memory_space<vmem>>) semaphore(%run_scoped3A : memref<!tpu.dma_semaphore, #tpu.memory_space<semaphore_mem>>) {add = true}
        %dma_wait3A_222 = arith.constant 0 : i32
        %dma_wait3A_223 = tpu.memref_slice %arg13[%scan3A_203, %dma_wait3A_222] : memref<160x128xi32, #tpu.memory_space<vmem>> -> memref<1x128xi32, #tpu.memory_space<vmem>>
        %dma_wait3A_224 = tpu.memref_squeeze %dma_wait3A_223 : memref<1x128xi32, #tpu.memory_space<vmem>> -> memref<128xi32, #tpu.memory_space<vmem>>
        %dma_wait3A_225 = arith.constant 0 : i32
        %dma_wait3A_226 = arith.constant 0 : i32
        %dma_wait3A_227 = tpu.memref_slice %arg9[%dma_wait3A_225, %dma_wait3A_226] : memref<10112x32xf32, #tpu.memory_space<vmem_shared>> -> memref<10112x32xf32, #tpu.memory_space<vmem_shared>>
        tpu.wait_indirect_dma semaphore(%run_scoped3A : memref<!tpu.dma_semaphore, #tpu.memory_space<semaphore_mem>>) src(%arg14 : memref<128x32xf32, #tpu.memory_space<vmem>>) dst(%dma_wait3A_227 : memref<10112x32xf32, #tpu.memory_space<vmem_shared>>)
        tpu.yield
      }) : () -> ()
    }
    %scan3A_71 = arith.constant 160 : i32
    %barrier3A_72 = arith.constant 0 : index
    tpu.barrier barrier_id(%barrier3A_72)
    %mul3A_73 = arith.constant 625 : i32
    %mul3A_74 = arith.muli %arg1, %mul3A_73 : i32
    "tpu.region"() ({
      %run_scoped3A = tpu.sem_alloc : memref<!tpu.dma_semaphore, #tpu.memory_space<semaphore_mem>>
      %dma_start3A_203 = arith.constant 0 : i32
      %dma_start3A_204 = tpu.memref_slice %arg9[%mul3A_74, %dma_start3A_203] : memref<10112x32xf32, #tpu.memory_space<vmem_shared>> -> memref<625x32xf32, #tpu.memory_space<vmem_shared>>
      %dma_start3A_205 = arith.constant 0 : i32
      %dma_start3A_206 = tpu.memref_slice %arg9[%mul3A_74, %dma_start3A_205] : memref<10112x32xf32, #tpu.memory_space<vmem_shared>> -> memref<625x32xf32, #tpu.memory_space<vmem_shared>>
      tpu.enqueue_dma source(%dma_start3A_206 : memref<625x32xf32, #tpu.memory_space<vmem_shared>>) target(%arg15 : memref<625x32xf32, #tpu.memory_space<vmem>>) target_semaphore(%run_scoped3A : memref<!tpu.dma_semaphore, #tpu.memory_space<semaphore_mem>>)
      %dma_wait3A_207 = arith.constant 0 : i32
      %dma_wait3A_208 = tpu.memref_slice %arg9[%mul3A_74, %dma_wait3A_207] : memref<10112x32xf32, #tpu.memory_space<vmem_shared>> -> memref<625x32xf32, #tpu.memory_space<vmem_shared>>
      %dma_wait3A_209 = arith.constant 0 : i32
      %dma_wait3A_210 = tpu.memref_slice %arg9[%mul3A_74, %dma_wait3A_209] : memref<10112x32xf32, #tpu.memory_space<vmem_shared>> -> memref<625x32xf32, #tpu.memory_space<vmem_shared>>
      tpu.wait_dma2 semaphore(%run_scoped3A : memref<!tpu.dma_semaphore, #tpu.memory_space<semaphore_mem>>) src(%dma_wait3A_210 : memref<625x32xf32, #tpu.memory_space<vmem_shared>>) dst(%arg15 : memref<625x32xf32, #tpu.memory_space<vmem>>)
      tpu.yield
    }) : () -> ()
    %broadcast_in_dim3A = arith.constant 0.000000e+00 : f32
    %broadcast_in_dim3A_75 = vector.broadcast %broadcast_in_dim3A : f32 to vector<16xf32>
    %scan3A_76 = arith.constant 0 : i32
    %scan3A_77 = arith.constant 625 : i32
    %scan3A_78 = arith.addi %scan3A_76, %scan3A_77 : i32
    %scan3A_79 = arith.constant 1 : i32
    %scan3A_80:4 = scf.for %scan3A_203 = %scan3A_76 to %scan3A_78 step %scan3A_79 iter_args(%scan3A_204 = %broadcast_in_dim3A_75, %scan3A_205 = %broadcast_in_dim3A_75, %scan3A_206 = %broadcast_in_dim3A_75, %scan3A_207 = %broadcast_in_dim3A_75) -> (vector<16xf32>, vector<16xf32>, vector<16xf32>, vector<16xf32>)  : i32 {
      %get3A_208 = arith.index_cast %scan3A_203 : i32 to index
      %get3A_209 = arith.constant 0 : index
      %get3A_210 = tpu.vector_load %arg15[%get3A_208, %get3A_209] {strides = array<i32>} : memref<625x32xf32, #tpu.memory_space<vmem>>, vector<16xf32>,
      %max3A = arith.constant 0.000000e+00 : f32
      %max3A_211 = vector.broadcast %max3A : f32 to vector<16xf32>
      %max3A_212 = arith.maximumf %get3A_210, %max3A_211 : vector<16xf32>
      %get3A_213 = arith.index_cast %scan3A_203 : i32 to index
      %get3A_214 = arith.constant 16 : index
      %get3A_215 = tpu.vector_load %arg15[%get3A_213, %get3A_214] {strides = array<i32>} : memref<625x32xf32, #tpu.memory_space<vmem>>, vector<16xf32>,
      %max3A_216 = arith.constant 0.000000e+00 : f32
      %max3A_217 = vector.broadcast %max3A_216 : f32 to vector<16xf32>
      %max3A_218 = arith.maximumf %get3A_215, %max3A_217 : vector<16xf32>
      %swap3A_219 = arith.index_cast %scan3A_203 : i32 to index
      %swap3A_220 = arith.constant 0 : index
      %swap3A_221 = tpu.vector_load %arg15[%swap3A_219, %swap3A_220] {strides = array<i32>} : memref<625x32xf32, #tpu.memory_space<vmem>>, vector<16xf32>,
      tpu.vector_store %arg15[%swap3A_219, %swap3A_220], %max3A_212 {strides = array<i32>} : memref<625x32xf32, #tpu.memory_space<vmem>>, vector<16xf32>,
      %swap3A_222 = arith.index_cast %scan3A_203 : i32 to index
      %swap3A_223 = arith.constant 16 : index
      %swap3A_224 = tpu.vector_load %arg15[%swap3A_222, %swap3A_223] {strides = array<i32>} : memref<625x32xf32, #tpu.memory_space<vmem>>, vector<16xf32>,
      tpu.vector_store %arg15[%swap3A_222, %swap3A_223], %max3A_218 {strides = array<i32>} : memref<625x32xf32, #tpu.memory_space<vmem>>, vector<16xf32>,
      %add3A_225 = arith.addf %scan3A_204, %max3A_212 : vector<16xf32>
      %add3A_226 = arith.addf %scan3A_205, %max3A_218 : vector<16xf32>
      %mul3A_227 = arith.mulf %max3A_212, %max3A_212 : vector<16xf32>
      %add3A_228 = arith.addf %scan3A_206, %mul3A_227 : vector<16xf32>
      %mul3A_229 = arith.mulf %max3A_218, %max3A_218 : vector<16xf32>
      %add3A_230 = arith.addf %scan3A_207, %mul3A_229 : vector<16xf32>
      scf.yield %add3A_225, %add3A_226, %add3A_228, %add3A_230 : vector<16xf32>, vector<16xf32>, vector<16xf32>, vector<16xf32>
    }
    %scan3A_81 = arith.constant 625 : i32
    %swap3A = arith.constant 0 : i32
    %swap3A_82 = arith.index_cast %swap3A : i32 to index
    %swap3A_83 = arith.constant 0 : index
    %swap3A_84 = tpu.vector_load %arg16[%swap3A_82, %swap3A_83] {strides = array<i32>} : memref<4x16xf32, #tpu.memory_space<vmem>>, vector<16xf32>,
    tpu.vector_store %arg16[%swap3A_82, %swap3A_83], %scan3A_80#0 {strides = array<i32>} : memref<4x16xf32, #tpu.memory_space<vmem>>, vector<16xf32>,
    %swap3A_85 = arith.constant 1 : i32
    %swap3A_86 = arith.index_cast %swap3A_85 : i32 to index
    %swap3A_87 = arith.constant 0 : index
    %swap3A_88 = tpu.vector_load %arg16[%swap3A_86, %swap3A_87] {strides = array<i32>} : memref<4x16xf32, #tpu.memory_space<vmem>>, vector<16xf32>,
    tpu.vector_store %arg16[%swap3A_86, %swap3A_87], %scan3A_80#1 {strides = array<i32>} : memref<4x16xf32, #tpu.memory_space<vmem>>, vector<16xf32>,
    %swap3A_89 = arith.constant 2 : i32
    %swap3A_90 = arith.index_cast %swap3A_89 : i32 to index
    %swap3A_91 = arith.constant 0 : index
    %swap3A_92 = tpu.vector_load %arg16[%swap3A_90, %swap3A_91] {strides = array<i32>} : memref<4x16xf32, #tpu.memory_space<vmem>>, vector<16xf32>,
    tpu.vector_store %arg16[%swap3A_90, %swap3A_91], %scan3A_80#2 {strides = array<i32>} : memref<4x16xf32, #tpu.memory_space<vmem>>, vector<16xf32>,
    %swap3A_93 = arith.constant 3 : i32
    %swap3A_94 = arith.index_cast %swap3A_93 : i32 to index
    %swap3A_95 = arith.constant 0 : index
    %swap3A_96 = tpu.vector_load %arg16[%swap3A_94, %swap3A_95] {strides = array<i32>} : memref<4x16xf32, #tpu.memory_space<vmem>>, vector<16xf32>,
    tpu.vector_store %arg16[%swap3A_94, %swap3A_95], %scan3A_80#3 {strides = array<i32>} : memref<4x16xf32, #tpu.memory_space<vmem>>, vector<16xf32>,
    "tpu.region"() ({
      %run_scoped3A = tpu.sem_alloc : memref<!tpu.dma_semaphore, #tpu.memory_space<semaphore_mem>>
      %dma_start3A_203 = arith.constant 0 : i32
      %dma_start3A_204 = arith.constant 0 : i32
      %dma_start3A_205 = tpu.memref_slice %arg11[%arg1, %dma_start3A_203, %dma_start3A_204] : memref<16x4x16xf32, #tpu.memory_space<vmem_shared>> -> memref<1x4x16xf32, #tpu.memory_space<vmem_shared>>
      %dma_start3A_206 = tpu.memref_squeeze %dma_start3A_205 : memref<1x4x16xf32, #tpu.memory_space<vmem_shared>> -> memref<4x16xf32, #tpu.memory_space<vmem_shared>>
      %dma_start3A_207 = arith.constant 0 : i32
      %dma_start3A_208 = arith.constant 0 : i32
      %dma_start3A_209 = tpu.memref_slice %arg11[%arg1, %dma_start3A_207, %dma_start3A_208] : memref<16x4x16xf32, #tpu.memory_space<vmem_shared>> -> memref<1x4x16xf32, #tpu.memory_space<vmem_shared>>
      %dma_start3A_210 = tpu.memref_squeeze %dma_start3A_209 : memref<1x4x16xf32, #tpu.memory_space<vmem_shared>> -> memref<4x16xf32, #tpu.memory_space<vmem_shared>>
      tpu.enqueue_dma source(%arg16 : memref<4x16xf32, #tpu.memory_space<vmem>>) target(%dma_start3A_210 : memref<4x16xf32, #tpu.memory_space<vmem_shared>>) target_semaphore(%run_scoped3A : memref<!tpu.dma_semaphore, #tpu.memory_space<semaphore_mem>>)
      %dma_wait3A_211 = arith.constant 0 : i32
      %dma_wait3A_212 = arith.constant 0 : i32
      %dma_wait3A_213 = tpu.memref_slice %arg11[%arg1, %dma_wait3A_211, %dma_wait3A_212] : memref<16x4x16xf32, #tpu.memory_space<vmem_shared>> -> memref<1x4x16xf32, #tpu.memory_space<vmem_shared>>
      %dma_wait3A_214 = tpu.memref_squeeze %dma_wait3A_213 : memref<1x4x16xf32, #tpu.memory_space<vmem_shared>> -> memref<4x16xf32, #tpu.memory_space<vmem_shared>>
      %dma_wait3A_215 = arith.constant 0 : i32
      %dma_wait3A_216 = arith.constant 0 : i32
      %dma_wait3A_217 = tpu.memref_slice %arg11[%arg1, %dma_wait3A_215, %dma_wait3A_216] : memref<16x4x16xf32, #tpu.memory_space<vmem_shared>> -> memref<1x4x16xf32, #tpu.memory_space<vmem_shared>>
      %dma_wait3A_218 = tpu.memref_squeeze %dma_wait3A_217 : memref<1x4x16xf32, #tpu.memory_space<vmem_shared>> -> memref<4x16xf32, #tpu.memory_space<vmem_shared>>
      tpu.wait_dma2 semaphore(%run_scoped3A : memref<!tpu.dma_semaphore, #tpu.memory_space<semaphore_mem>>) src(%arg16 : memref<4x16xf32, #tpu.memory_space<vmem>>) dst(%dma_wait3A_218 : memref<4x16xf32, #tpu.memory_space<vmem_shared>>)
      tpu.yield
    }) : () -> ()
    %barrier3A_97 = arith.constant 0 : index
    tpu.barrier barrier_id(%barrier3A_97)
    "tpu.region"() ({
      %run_scoped3A = tpu.sem_alloc : memref<!tpu.dma_semaphore, #tpu.memory_space<semaphore_mem>>
      tpu.enqueue_dma source(%arg11 : memref<16x4x16xf32, #tpu.memory_space<vmem_shared>>) target(%arg17 : memref<16x4x16xf32, #tpu.memory_space<vmem>>) target_semaphore(%run_scoped3A : memref<!tpu.dma_semaphore, #tpu.memory_space<semaphore_mem>>)
      tpu.wait_dma2 semaphore(%run_scoped3A : memref<!tpu.dma_semaphore, #tpu.memory_space<semaphore_mem>>) src(%arg11 : memref<16x4x16xf32, #tpu.memory_space<vmem_shared>>) dst(%arg17 : memref<16x4x16xf32, #tpu.memory_space<vmem>>)
      tpu.yield
    }) : () -> ()
    %scan3A_98 = arith.constant 0 : i32
    %scan3A_99 = arith.constant 16 : i32
    %scan3A_100 = arith.addi %scan3A_98, %scan3A_99 : i32
    %scan3A_101 = arith.constant 1 : i32
    %scan3A_102:4 = scf.for %scan3A_203 = %scan3A_98 to %scan3A_100 step %scan3A_101 iter_args(%scan3A_204 = %broadcast_in_dim3A_75, %scan3A_205 = %broadcast_in_dim3A_75, %scan3A_206 = %broadcast_in_dim3A_75, %scan3A_207 = %broadcast_in_dim3A_75) -> (vector<16xf32>, vector<16xf32>, vector<16xf32>, vector<16xf32>)  : i32 {
      %get3A_208 = arith.constant 0 : i32
      %get3A_209 = arith.index_cast %scan3A_203 : i32 to index
      %get3A_210 = arith.index_cast %get3A_208 : i32 to index
      %get3A_211 = arith.constant 0 : index
      %get3A_212 = tpu.vector_load %arg17[%get3A_209, %get3A_210, %get3A_211] {strides = array<i32>} : memref<16x4x16xf32, #tpu.memory_space<vmem>>, vector<16xf32>,
      %add3A_213 = arith.addf %scan3A_204, %get3A_212 : vector<16xf32>
      %get3A_214 = arith.constant 1 : i32
      %get3A_215 = arith.index_cast %scan3A_203 : i32 to index
      %get3A_216 = arith.index_cast %get3A_214 : i32 to index
      %get3A_217 = arith.constant 0 : index
      %get3A_218 = tpu.vector_load %arg17[%get3A_215, %get3A_216, %get3A_217] {strides = array<i32>} : memref<16x4x16xf32, #tpu.memory_space<vmem>>, vector<16xf32>,
      %add3A_219 = arith.addf %scan3A_205, %get3A_218 : vector<16xf32>
      %get3A_220 = arith.constant 2 : i32
      %get3A_221 = arith.index_cast %scan3A_203 : i32 to index
      %get3A_222 = arith.index_cast %get3A_220 : i32 to index
      %get3A_223 = arith.constant 0 : index
      %get3A_224 = tpu.vector_load %arg17[%get3A_221, %get3A_222, %get3A_223] {strides = array<i32>} : memref<16x4x16xf32, #tpu.memory_space<vmem>>, vector<16xf32>,
      %add3A_225 = arith.addf %scan3A_206, %get3A_224 : vector<16xf32>
      %get3A_226 = arith.constant 3 : i32
      %get3A_227 = arith.index_cast %scan3A_203 : i32 to index
      %get3A_228 = arith.index_cast %get3A_226 : i32 to index
      %get3A_229 = arith.constant 0 : index
      %get3A_230 = tpu.vector_load %arg17[%get3A_227, %get3A_228, %get3A_229] {strides = array<i32>} : memref<16x4x16xf32, #tpu.memory_space<vmem>>, vector<16xf32>,
      %add3A_231 = arith.addf %scan3A_207, %get3A_230 : vector<16xf32>
      scf.yield %add3A_213, %add3A_219, %add3A_225, %add3A_231 : vector<16xf32>, vector<16xf32>, vector<16xf32>, vector<16xf32>
    }
    %scan3A_103 = arith.constant 16 : i32
    %mul3A_104 = arith.constant 9.99999974E-5 : f32
    %mul3A_105 = vector.broadcast %mul3A_104 : f32 to vector<16xf32>
    %mul3A_106 = arith.mulf %scan3A_102#0, %mul3A_105 : vector<16xf32>
    %mul3A_107 = arith.constant 9.99999974E-5 : f32
    %mul3A_108 = vector.broadcast %mul3A_107 : f32 to vector<16xf32>
    %mul3A_109 = arith.mulf %scan3A_102#1, %mul3A_108 : vector<16xf32>
    %mul3A_110 = arith.constant 9.99999974E-5 : f32
    %mul3A_111 = vector.broadcast %mul3A_110 : f32 to vector<16xf32>
    %mul3A_112 = arith.mulf %scan3A_102#2, %mul3A_111 : vector<16xf32>
    %mul3A_113 = arith.mulf %mul3A_106, %mul3A_106 : vector<16xf32>
    %sub3A = arith.subf %mul3A_112, %mul3A_113 : vector<16xf32>
    %mul3A_114 = arith.constant 9.99999974E-5 : f32
    %mul3A_115 = vector.broadcast %mul3A_114 : f32 to vector<16xf32>
    %mul3A_116 = arith.mulf %scan3A_102#3, %mul3A_115 : vector<16xf32>
    %mul3A_117 = arith.mulf %mul3A_109, %mul3A_109 : vector<16xf32>
    %sub3A_118 = arith.subf %mul3A_116, %mul3A_117 : vector<16xf32>
    %add3A = arith.constant 9.99999974E-6 : f32
    %add3A_119 = vector.broadcast %add3A : f32 to vector<16xf32>
    %add3A_120 = arith.addf %sub3A, %add3A_119 : vector<16xf32>
    %mul3A_121 = arith.constant 5.000000e-01 : f32
    %mul3A_122 = vector.broadcast %mul3A_121 : f32 to vector<16xf32>
    %mul3A_123 = arith.mulf %add3A_120, %mul3A_122 : vector<16xf32>
    %bitcast3A = vector.bitcast %add3A_120 : vector<16xf32> to vector<16xi32>
    %shift_right_arithmetic3A = arith.constant 1 : i32
    %shift_right_arithmetic3A_124 = vector.broadcast %shift_right_arithmetic3A : i32 to vector<16xi32>
    %shift_right_arithmetic3A_125 = arith.shrsi %bitcast3A, %shift_right_arithmetic3A_124 : vector<16xi32>
    %sub3A_126 = arith.constant 1597463007 : i32
    %sub3A_127 = vector.broadcast %sub3A_126 : i32 to vector<16xi32>
    %sub3A_128 = arith.subi %sub3A_127, %shift_right_arithmetic3A_125 : vector<16xi32>
    %bitcast3A_129 = vector.bitcast %sub3A_128 : vector<16xi32> to vector<16xf32>
    %mul3A_130 = arith.mulf %mul3A_123, %bitcast3A_129 : vector<16xf32>
    %mul3A_131 = arith.mulf %mul3A_130, %bitcast3A_129 : vector<16xf32>
    %sub3A_132 = arith.constant 1.500000e+00 : f32
    %sub3A_133 = vector.broadcast %sub3A_132 : f32 to vector<16xf32>
    %sub3A_134 = arith.subf %sub3A_133, %mul3A_131 : vector<16xf32>
    %mul3A_135 = arith.mulf %bitcast3A_129, %sub3A_134 : vector<16xf32>
    %mul3A_136 = arith.mulf %mul3A_123, %mul3A_135 : vector<16xf32>
    %mul3A_137 = arith.mulf %mul3A_136, %mul3A_135 : vector<16xf32>
    %sub3A_138 = arith.constant 1.500000e+00 : f32
    %sub3A_139 = vector.broadcast %sub3A_138 : f32 to vector<16xf32>
    %sub3A_140 = arith.subf %sub3A_139, %mul3A_137 : vector<16xf32>
    %mul3A_141 = arith.mulf %mul3A_135, %sub3A_140 : vector<16xf32>
    %mul3A_142 = arith.mulf %mul3A_123, %mul3A_141 : vector<16xf32>
    %mul3A_143 = arith.mulf %mul3A_142, %mul3A_141 : vector<16xf32>
    %sub3A_144 = arith.constant 1.500000e+00 : f32
    %sub3A_145 = vector.broadcast %sub3A_144 : f32 to vector<16xf32>
    %sub3A_146 = arith.subf %sub3A_145, %mul3A_143 : vector<16xf32>
    %mul3A_147 = arith.mulf %mul3A_141, %sub3A_146 : vector<16xf32>
    %get3A = arith.constant 0 : index
    %get3A_148 = tpu.vector_load %arg18[%get3A] {strides = array<i32>} : memref<32xf32, #tpu.memory_space<vmem>>, vector<16xf32>,
    %mul3A_149 = arith.mulf %mul3A_147, %get3A_148 : vector<16xf32>
    %add3A_150 = arith.constant 9.99999974E-6 : f32
    %add3A_151 = vector.broadcast %add3A_150 : f32 to vector<16xf32>
    %add3A_152 = arith.addf %sub3A_118, %add3A_151 : vector<16xf32>
    %mul3A_153 = arith.constant 5.000000e-01 : f32
    %mul3A_154 = vector.broadcast %mul3A_153 : f32 to vector<16xf32>
    %mul3A_155 = arith.mulf %add3A_152, %mul3A_154 : vector<16xf32>
    %bitcast3A_156 = vector.bitcast %add3A_152 : vector<16xf32> to vector<16xi32>
    %shift_right_arithmetic3A_157 = arith.constant 1 : i32
    %shift_right_arithmetic3A_158 = vector.broadcast %shift_right_arithmetic3A_157 : i32 to vector<16xi32>
    %shift_right_arithmetic3A_159 = arith.shrsi %bitcast3A_156, %shift_right_arithmetic3A_158 : vector<16xi32>
    %sub3A_160 = arith.constant 1597463007 : i32
    %sub3A_161 = vector.broadcast %sub3A_160 : i32 to vector<16xi32>
    %sub3A_162 = arith.subi %sub3A_161, %shift_right_arithmetic3A_159 : vector<16xi32>
    %bitcast3A_163 = vector.bitcast %sub3A_162 : vector<16xi32> to vector<16xf32>
    %mul3A_164 = arith.mulf %mul3A_155, %bitcast3A_163 : vector<16xf32>
    %mul3A_165 = arith.mulf %mul3A_164, %bitcast3A_163 : vector<16xf32>
    %sub3A_166 = arith.constant 1.500000e+00 : f32
    %sub3A_167 = vector.broadcast %sub3A_166 : f32 to vector<16xf32>
    %sub3A_168 = arith.subf %sub3A_167, %mul3A_165 : vector<16xf32>
    %mul3A_169 = arith.mulf %bitcast3A_163, %sub3A_168 : vector<16xf32>
    %mul3A_170 = arith.mulf %mul3A_155, %mul3A_169 : vector<16xf32>
    %mul3A_171 = arith.mulf %mul3A_170, %mul3A_169 : vector<16xf32>
    %sub3A_172 = arith.constant 1.500000e+00 : f32
    %sub3A_173 = vector.broadcast %sub3A_172 : f32 to vector<16xf32>
    %sub3A_174 = arith.subf %sub3A_173, %mul3A_171 : vector<16xf32>
    %mul3A_175 = arith.mulf %mul3A_169, %sub3A_174 : vector<16xf32>
    %mul3A_176 = arith.mulf %mul3A_155, %mul3A_175 : vector<16xf32>
    %mul3A_177 = arith.mulf %mul3A_176, %mul3A_175 : vector<16xf32>
    %sub3A_178 = arith.constant 1.500000e+00 : f32
    %sub3A_179 = vector.broadcast %sub3A_178 : f32 to vector<16xf32>
    %sub3A_180 = arith.subf %sub3A_179, %mul3A_177 : vector<16xf32>
    %mul3A_181 = arith.mulf %mul3A_175, %sub3A_180 : vector<16xf32>
    %get3A_182 = arith.constant 16 : index
    %get3A_183 = tpu.vector_load %arg18[%get3A_182] {strides = array<i32>} : memref<32xf32, #tpu.memory_space<vmem>>, vector<16xf32>,
    %mul3A_184 = arith.mulf %mul3A_181, %get3A_183 : vector<16xf32>
    %get3A_185 = arith.constant 0 : index
    %get3A_186 = tpu.vector_load %arg19[%get3A_185] {strides = array<i32>} : memref<32xf32, #tpu.memory_space<vmem>>, vector<16xf32>,
    %mul3A_187 = arith.mulf %mul3A_106, %mul3A_149 : vector<16xf32>
    %sub3A_188 = arith.subf %get3A_186, %mul3A_187 : vector<16xf32>
    %get3A_189 = arith.constant 16 : index
    %get3A_190 = tpu.vector_load %arg19[%get3A_189] {strides = array<i32>} : memref<32xf32, #tpu.memory_space<vmem>>, vector<16xf32>,
    %mul3A_191 = arith.mulf %mul3A_109, %mul3A_184 : vector<16xf32>
    %sub3A_192 = arith.subf %get3A_190, %mul3A_191 : vector<16xf32>
    %scan3A_193 = arith.constant 0 : i32
    %scan3A_194 = arith.constant 0 : i32
    %scan3A_195 = arith.constant 625 : i32
    %scan3A_196 = arith.addi %scan3A_194, %scan3A_195 : i32
    %scan3A_197 = arith.constant 1 : i32
    scf.for %scan3A_203 = %scan3A_194 to %scan3A_196 step %scan3A_197  : i32 {
      %get3A_204 = arith.index_cast %scan3A_203 : i32 to index
      %get3A_205 = arith.constant 0 : index
      %get3A_206 = tpu.vector_load %arg15[%get3A_204, %get3A_205] {strides = array<i32>} : memref<625x32xf32, #tpu.memory_space<vmem>>, vector<16xf32>,
      %mul3A_207 = arith.mulf %get3A_206, %mul3A_149 : vector<16xf32>
      %add3A_208 = arith.addf %mul3A_207, %sub3A_188 : vector<16xf32>
      %swap3A_209 = arith.index_cast %scan3A_203 : i32 to index
      %swap3A_210 = arith.constant 0 : index
      %swap3A_211 = tpu.vector_load %arg15[%swap3A_209, %swap3A_210] {strides = array<i32>} : memref<625x32xf32, #tpu.memory_space<vmem>>, vector<16xf32>,
      tpu.vector_store %arg15[%swap3A_209, %swap3A_210], %add3A_208 {strides = array<i32>} : memref<625x32xf32, #tpu.memory_space<vmem>>, vector<16xf32>,
      %get3A_212 = arith.index_cast %scan3A_203 : i32 to index
      %get3A_213 = arith.constant 16 : index
      %get3A_214 = tpu.vector_load %arg15[%get3A_212, %get3A_213] {strides = array<i32>} : memref<625x32xf32, #tpu.memory_space<vmem>>, vector<16xf32>,
      %mul3A_215 = arith.mulf %get3A_214, %mul3A_184 : vector<16xf32>
      %add3A_216 = arith.addf %mul3A_215, %sub3A_192 : vector<16xf32>
      %swap3A_217 = arith.index_cast %scan3A_203 : i32 to index
      %swap3A_218 = arith.constant 16 : index
      %swap3A_219 = tpu.vector_load %arg15[%swap3A_217, %swap3A_218] {strides = array<i32>} : memref<625x32xf32, #tpu.memory_space<vmem>>, vector<16xf32>,
      tpu.vector_store %arg15[%swap3A_217, %swap3A_218], %add3A_216 {strides = array<i32>} : memref<625x32xf32, #tpu.memory_space<vmem>>, vector<16xf32>,
    }
    %scan3A_198 = arith.constant 625 : i32
    %mul3A_199 = arith.constant 625 : i32
    %mul3A_200 = arith.muli %arg1, %mul3A_199 : i32
    %mul3A_201 = arith.constant 32 : i32
    %mul3A_202 = arith.muli %arg0, %mul3A_201 : i32
    "tpu.region"() ({
      %run_scoped3A = tpu.sem_alloc : memref<!tpu.dma_semaphore, #tpu.memory_space<semaphore_mem>>
      %dma_start3A_203 = tpu.memref_slice %arg8[%mul3A_200, %mul3A_202] : memref<10000x64xf32, #tpu.memory_space<hbm>> -> memref<625x32xf32, #tpu.memory_space<hbm>>
      %dma_start3A_204 = tpu.memref_slice %arg8[%mul3A_200, %mul3A_202] : memref<10000x64xf32, #tpu.memory_space<hbm>> -> memref<625x32xf32, #tpu.memory_space<hbm>>
      tpu.enqueue_dma source(%arg15 : memref<625x32xf32, #tpu.memory_space<vmem>>) target(%dma_start3A_204 : memref<625x32xf32, #tpu.memory_space<hbm>>) target_semaphore(%run_scoped3A : memref<!tpu.dma_semaphore, #tpu.memory_space<semaphore_mem>>)
      %dma_wait3A_205 = tpu.memref_slice %arg8[%mul3A_200, %mul3A_202] : memref<10000x64xf32, #tpu.memory_space<hbm>> -> memref<625x32xf32, #tpu.memory_space<hbm>>
      %dma_wait3A_206 = tpu.memref_slice %arg8[%mul3A_200, %mul3A_202] : memref<10000x64xf32, #tpu.memory_space<hbm>> -> memref<625x32xf32, #tpu.memory_space<hbm>>
      tpu.wait_dma2 semaphore(%run_scoped3A : memref<!tpu.dma_semaphore, #tpu.memory_space<semaphore_mem>>) src(%arg15 : memref<625x32xf32, #tpu.memory_space<vmem>>) dst(%dma_wait3A_206 : memref<625x32xf32, #tpu.memory_space<hbm>>)
      tpu.yield
    }) : () -> ()
    return
  }
}

module attributes {stable_mosaic.version = 14 : i64} {
  func.func @_mm_split_kernel(%arg0: i32, %arg1: i32, %arg2: memref<2000x128xf32, #tpu.memory_space<vmem>>, %arg3: memref<1x128x64xf32, #tpu.memory_space<vmem>>, %arg4: memref<1x2000x64xf32, #tpu.memory_space<vmem>>) attributes {dimension_semantics = [#tpu.dimension_semantics<arbitrary>, #tpu.dimension_semantics<arbitrary>], iteration_bounds = array<i64: 2, 5>, scalar_prefetch = 0 : i64, scratch_operands = 0 : i64, tpu.core_type = #tpu.core_type<tc>, window_params = [{transform_indices = @transform_0, window_bounds = array<i64: 2000, 128>}, {transform_indices = @transform_1, window_bounds = array<i64: 1, 128, 64>}, {transform_indices = @transform_2, window_bounds = array<i64: 1, 2000, 64>}]} {
    %get3A = arith.constant 0 : index
    %get3A_0 = arith.constant 0 : index
    %get3A_1 = vector.load %arg2[%get3A, %get3A_0] : memref<2000x128xf32, #tpu.memory_space<vmem>>, vector<2000x128xf32>
    %get3A_2 = arith.constant 0 : index
    %get3A_3 = arith.constant 0 : index
    %get3A_4 = arith.constant 0 : index
    %get3A_5 = vector.load %arg3[%get3A_2, %get3A_3, %get3A_4] : memref<1x128x64xf32, #tpu.memory_space<vmem>>, vector<1x128x64xf32>
    %get3A_6 = vector.shape_cast %get3A_5 : vector<1x128x64xf32> to vector<128x64xf32>
    %dot_general3A = arith.constant dense<0.000000e+00> : vector<2000x64xf32>
    %dot_general3A_7 = tpu.matmul %get3A_1, %get3A_6, %dot_general3A {dimension_numbers = #tpu.dot_dimension_numbers<[1], [0], [0], [1], [0, 0, 1, 1], [], []>, transpose_lhs_hint = false} : vector<2000x128xf32>, vector<128x64xf32>, vector<2000x64xf32> -> vector<2000x64xf32>
    %swap3A = arith.constant 0 : index
    %swap3A_8 = arith.constant 0 : index
    %swap3A_9 = arith.constant 0 : index
    %swap3A_10 = vector.load %arg4[%swap3A, %swap3A_8, %swap3A_9] : memref<1x2000x64xf32, #tpu.memory_space<vmem>>, vector<1x2000x64xf32>
    %swap3A_11 = vector.shape_cast %swap3A_10 : vector<1x2000x64xf32> to vector<2000x64xf32>
    %swap3A_12 = vector.shape_cast %dot_general3A_7 : vector<2000x64xf32> to vector<1x2000x64xf32>
    tpu.vector_store %arg4[%swap3A, %swap3A_8, %swap3A_9], %swap3A_12 {strides = array<i32>} : memref<1x2000x64xf32, #tpu.memory_space<vmem>>, vector<1x2000x64xf32>,
    return
  }
  func.func @transform_0(%arg0: i32, %arg1: i32) -> (i32, i32) {
    %c0_i32 = arith.constant 0 : i32
    %c0_i32_0 = arith.constant 0 : i32
    return %arg1, %c0_i32 : i32, i32
  }
  func.func @transform_1(%arg0: i32, %arg1: i32) -> (i32, i32, i32) {
    %c0_i32 = arith.constant 0 : i32
    %c0_i32_0 = arith.constant 0 : i32
    %c0_i32_1 = arith.constant 0 : i32
    return %arg0, %c0_i32, %c0_i32_0 : i32, i32, i32
  }
  func.func @transform_2(%arg0: i32, %arg1: i32) -> (i32, i32, i32) {
    %c0_i32 = arith.constant 0 : i32
    %c0_i32_0 = arith.constant 0 : i32
    return %arg0, %arg1, %c0_i32 : i32, i32, i32
  }
}

module attributes {stable_mosaic.version = 14 : i64} {
  func.func @_mid_kernel(%arg0: memref<2x10112x64xf32, #tpu.memory_space<vmem>>, %arg1: memref<2x1x64xf32, #tpu.memory_space<vmem>>, %arg2: memref<2x1x64xf32, #tpu.memory_space<vmem>>, %arg3: memref<2x64x64xf32, #tpu.memory_space<vmem>>, %arg4: memref<2x10000x32xf32, #tpu.memory_space<vmem>>) attributes {dimension_semantics = [], scalar_prefetch = 0 : i64, scratch_operands = 0 : i64, tpu.core_type = #tpu.core_type<tc>} {
    %get3A = arith.constant 0 : index
    %get3A_0 = arith.constant 0 : index
    %get3A_1 = arith.constant 0 : index
    %get3A_2 = vector.load %arg0[%get3A, %get3A_0, %get3A_1] : memref<2x10112x64xf32, #tpu.memory_space<vmem>>, vector<1x10000x64xf32>
    %get3A_3 = vector.shape_cast %get3A_2 : vector<1x10000x64xf32> to vector<10000x64xf32>
    %get3A_4 = arith.constant 0 : index
    %get3A_5 = arith.constant 0 : index
    %get3A_6 = arith.constant 0 : index
    %get3A_7 = vector.load %arg1[%get3A_4, %get3A_5, %get3A_6] : memref<2x1x64xf32, #tpu.memory_space<vmem>>, vector<1x1x64xf32>
    %get3A_8 = vector.shape_cast %get3A_7 : vector<1x1x64xf32> to vector<1x64xf32>
    %get3A_9 = arith.constant 0 : index
    %get3A_10 = arith.constant 0 : index
    %get3A_11 = arith.constant 0 : index
    %get3A_12 = vector.load %arg2[%get3A_9, %get3A_10, %get3A_11] : memref<2x1x64xf32, #tpu.memory_space<vmem>>, vector<1x1x64xf32>
    %get3A_13 = vector.shape_cast %get3A_12 : vector<1x1x64xf32> to vector<1x64xf32>
    %max3A = arith.constant 0.000000e+00 : f32
    %max3A_14 = vector.broadcast %max3A : f32 to vector<10000x64xf32>
    %max3A_15 = arith.maximumf %get3A_3, %max3A_14 : vector<10000x64xf32>
    %reduce_sum3A = arith.constant dense<0.000000e+00> : vector<64xf32>
    %reduce_sum3A_16 = vector.multi_reduction <add>, %max3A_15, %reduce_sum3A [0] : vector<10000x64xf32> to vector<64xf32>
    %broadcast_in_dim3A = vector.shape_cast %reduce_sum3A_16 : vector<64xf32> to vector<1x64xf32>
    %div3A = arith.constant 1.000000e+04 : f32
    %div3A_17 = vector.broadcast %div3A : f32 to vector<1x64xf32>
    %div3A_18 = arith.divf %broadcast_in_dim3A, %div3A_17 : vector<1x64xf32>
    %sub3A = vector.broadcast %div3A_18 : vector<1x64xf32> to vector<10000x64xf32>
    %sub3A_19 = arith.subf %max3A_15, %sub3A : vector<10000x64xf32>
    %integer_pow3A = arith.mulf %sub3A_19, %sub3A_19 : vector<10000x64xf32>
    %reduce_sum3A_20 = arith.constant dense<0.000000e+00> : vector<64xf32>
    %reduce_sum3A_21 = vector.multi_reduction <add>, %integer_pow3A, %reduce_sum3A_20 [0] : vector<10000x64xf32> to vector<64xf32>
    %broadcast_in_dim3A_22 = vector.shape_cast %reduce_sum3A_21 : vector<64xf32> to vector<1x64xf32>
    %div3A_23 = arith.constant 1.000000e+04 : f32
    %div3A_24 = vector.broadcast %div3A_23 : f32 to vector<1x64xf32>
    %div3A_25 = arith.divf %broadcast_in_dim3A_22, %div3A_24 : vector<1x64xf32>
    %sub3A_26 = vector.broadcast %div3A_18 : vector<1x64xf32> to vector<10000x64xf32>
    %sub3A_27 = arith.subf %max3A_15, %sub3A_26 : vector<10000x64xf32>
    %add3A = arith.constant 9.99999974E-6 : f32
    %add3A_28 = vector.broadcast %add3A : f32 to vector<1x64xf32>
    %add3A_29 = arith.addf %div3A_25, %add3A_28 : vector<1x64xf32>
    %rsqrt3A = math.rsqrt %add3A_29 : vector<1x64xf32>
    %mul3A = vector.broadcast %rsqrt3A : vector<1x64xf32> to vector<10000x64xf32>
    %mul3A_30 = arith.mulf %sub3A_27, %mul3A : vector<10000x64xf32>
    %mul3A_31 = vector.broadcast %get3A_8 : vector<1x64xf32> to vector<10000x64xf32>
    %mul3A_32 = arith.mulf %mul3A_30, %mul3A_31 : vector<10000x64xf32>
    %add3A_33 = vector.broadcast %get3A_13 : vector<1x64xf32> to vector<10000x64xf32>
    %add3A_34 = arith.addf %mul3A_32, %add3A_33 : vector<10000x64xf32>
    %max3A_35 = arith.constant 0.000000e+00 : f32
    %max3A_36 = vector.broadcast %max3A_35 : f32 to vector<10000x64xf32>
    %max3A_37 = arith.maximumf %add3A_34, %max3A_36 : vector<10000x64xf32>
    %get3A_38 = arith.constant 1 : index
    %get3A_39 = arith.constant 0 : index
    %get3A_40 = arith.constant 0 : index
    %get3A_41 = vector.load %arg0[%get3A_38, %get3A_39, %get3A_40] : memref<2x10112x64xf32, #tpu.memory_space<vmem>>, vector<1x10000x64xf32>
    %get3A_42 = vector.shape_cast %get3A_41 : vector<1x10000x64xf32> to vector<10000x64xf32>
    %get3A_43 = arith.constant 1 : index
    %get3A_44 = arith.constant 0 : index
    %get3A_45 = arith.constant 0 : index
    %get3A_46 = vector.load %arg1[%get3A_43, %get3A_44, %get3A_45] : memref<2x1x64xf32, #tpu.memory_space<vmem>>, vector<1x1x64xf32>
    %get3A_47 = vector.shape_cast %get3A_46 : vector<1x1x64xf32> to vector<1x64xf32>
    %get3A_48 = arith.constant 1 : index
    %get3A_49 = arith.constant 0 : index
    %get3A_50 = arith.constant 0 : index
    %get3A_51 = vector.load %arg2[%get3A_48, %get3A_49, %get3A_50] : memref<2x1x64xf32, #tpu.memory_space<vmem>>, vector<1x1x64xf32>
    %get3A_52 = vector.shape_cast %get3A_51 : vector<1x1x64xf32> to vector<1x64xf32>
    %max3A_53 = arith.constant 0.000000e+00 : f32
    %max3A_54 = vector.broadcast %max3A_53 : f32 to vector<10000x64xf32>
    %max3A_55 = arith.maximumf %get3A_42, %max3A_54 : vector<10000x64xf32>
    %reduce_sum3A_56 = arith.constant dense<0.000000e+00> : vector<64xf32>
    %reduce_sum3A_57 = vector.multi_reduction <add>, %max3A_55, %reduce_sum3A_56 [0] : vector<10000x64xf32> to vector<64xf32>
    %broadcast_in_dim3A_58 = vector.shape_cast %reduce_sum3A_57 : vector<64xf32> to vector<1x64xf32>
    %div3A_59 = arith.constant 1.000000e+04 : f32
    %div3A_60 = vector.broadcast %div3A_59 : f32 to vector<1x64xf32>
    %div3A_61 = arith.divf %broadcast_in_dim3A_58, %div3A_60 : vector<1x64xf32>
    %sub3A_62 = vector.broadcast %div3A_61 : vector<1x64xf32> to vector<10000x64xf32>
    %sub3A_63 = arith.subf %max3A_55, %sub3A_62 : vector<10000x64xf32>
    %integer_pow3A_64 = arith.mulf %sub3A_63, %sub3A_63 : vector<10000x64xf32>
    %reduce_sum3A_65 = arith.constant dense<0.000000e+00> : vector<64xf32>
    %reduce_sum3A_66 = vector.multi_reduction <add>, %integer_pow3A_64, %reduce_sum3A_65 [0] : vector<10000x64xf32> to vector<64xf32>
    %broadcast_in_dim3A_67 = vector.shape_cast %reduce_sum3A_66 : vector<64xf32> to vector<1x64xf32>
    %div3A_68 = arith.constant 1.000000e+04 : f32
    %div3A_69 = vector.broadcast %div3A_68 : f32 to vector<1x64xf32>
    %div3A_70 = arith.divf %broadcast_in_dim3A_67, %div3A_69 : vector<1x64xf32>
    %sub3A_71 = vector.broadcast %div3A_61 : vector<1x64xf32> to vector<10000x64xf32>
    %sub3A_72 = arith.subf %max3A_55, %sub3A_71 : vector<10000x64xf32>
    %add3A_73 = arith.constant 9.99999974E-6 : f32
    %add3A_74 = vector.broadcast %add3A_73 : f32 to vector<1x64xf32>
    %add3A_75 = arith.addf %div3A_70, %add3A_74 : vector<1x64xf32>
    %rsqrt3A_76 = math.rsqrt %add3A_75 : vector<1x64xf32>
    %mul3A_77 = vector.broadcast %rsqrt3A_76 : vector<1x64xf32> to vector<10000x64xf32>
    %mul3A_78 = arith.mulf %sub3A_72, %mul3A_77 : vector<10000x64xf32>
    %mul3A_79 = vector.broadcast %get3A_47 : vector<1x64xf32> to vector<10000x64xf32>
    %mul3A_80 = arith.mulf %mul3A_78, %mul3A_79 : vector<10000x64xf32>
    %add3A_81 = vector.broadcast %get3A_52 : vector<1x64xf32> to vector<10000x64xf32>
    %add3A_82 = arith.addf %mul3A_80, %add3A_81 : vector<10000x64xf32>
    %max3A_83 = arith.constant 0.000000e+00 : f32
    %max3A_84 = vector.broadcast %max3A_83 : f32 to vector<10000x64xf32>
    %max3A_85 = arith.maximumf %add3A_82, %max3A_84 : vector<10000x64xf32>
    %get3A_86 = arith.constant 0 : index
    %get3A_87 = arith.constant 0 : index
    %get3A_88 = arith.constant 0 : index
    %get3A_89 = vector.load %arg3[%get3A_86, %get3A_87, %get3A_88] : memref<2x64x64xf32, #tpu.memory_space<vmem>>, vector<1x64x64xf32>
    %get3A_90 = vector.shape_cast %get3A_89 : vector<1x64x64xf32> to vector<64x64xf32>
    %dot_general3A = arith.constant dense<0.000000e+00> : vector<10000x64xf32>
    %dot_general3A_91 = tpu.matmul %max3A_37, %get3A_90, %dot_general3A {dimension_numbers = #tpu.dot_dimension_numbers<[1], [0], [0], [1], [0, 0, 1, 1], [], []>, transpose_lhs_hint = false} : vector<10000x64xf32>, vector<64x64xf32>, vector<10000x64xf32> -> vector<10000x64xf32>
    %get3A_92 = arith.constant 1 : index
    %get3A_93 = arith.constant 0 : index
    %get3A_94 = arith.constant 0 : index
    %get3A_95 = vector.load %arg3[%get3A_92, %get3A_93, %get3A_94] : memref<2x64x64xf32, #tpu.memory_space<vmem>>, vector<1x64x64xf32>
    %get3A_96 = vector.shape_cast %get3A_95 : vector<1x64x64xf32> to vector<64x64xf32>
    %dot_general3A_97 = arith.constant dense<0.000000e+00> : vector<10000x64xf32>
    %dot_general3A_98 = tpu.matmul %max3A_85, %get3A_96, %dot_general3A_97 {dimension_numbers = #tpu.dot_dimension_numbers<[1], [0], [0], [1], [0, 0, 1, 1], [], []>, transpose_lhs_hint = false} : vector<10000x64xf32>, vector<64x64xf32>, vector<10000x64xf32> -> vector<10000x64xf32>
    %add3A_99 = arith.addf %dot_general3A_91, %dot_general3A_98 : vector<10000x64xf32>
    %slice3A = vector.extract_strided_slice %add3A_99 {offsets = [0, 0], sizes = [10000, 32], strides = [1, 1]} : vector<10000x64xf32> to vector<10000x32xf32>
    %swap3A = arith.constant 0 : index
    %swap3A_100 = arith.constant 0 : index
    %swap3A_101 = arith.constant 0 : index
    %swap3A_102 = vector.load %arg4[%swap3A, %swap3A_100, %swap3A_101] : memref<2x10000x32xf32, #tpu.memory_space<vmem>>, vector<1x10000x32xf32>
    %swap3A_103 = vector.shape_cast %swap3A_102 : vector<1x10000x32xf32> to vector<10000x32xf32>
    %swap3A_104 = vector.shape_cast %slice3A : vector<10000x32xf32> to vector<1x10000x32xf32>
    tpu.vector_store %arg4[%swap3A, %swap3A_100, %swap3A_101], %swap3A_104 {strides = array<i32>} : memref<2x10000x32xf32, #tpu.memory_space<vmem>>, vector<1x10000x32xf32>,
    %slice3A_105 = vector.extract_strided_slice %add3A_99 {offsets = [0, 32], sizes = [10000, 32], strides = [1, 1]} : vector<10000x64xf32> to vector<10000x32xf32>
    %swap3A_106 = arith.constant 1 : index
    %swap3A_107 = arith.constant 0 : index
    %swap3A_108 = arith.constant 0 : index
    %swap3A_109 = vector.load %arg4[%swap3A_106, %swap3A_107, %swap3A_108] : memref<2x10000x32xf32, #tpu.memory_space<vmem>>, vector<1x10000x32xf32>
    %swap3A_110 = vector.shape_cast %swap3A_109 : vector<1x10000x32xf32> to vector<10000x32xf32>
    %swap3A_111 = vector.shape_cast %slice3A_105 : vector<10000x32xf32> to vector<1x10000x32xf32>
    tpu.vector_store %arg4[%swap3A_106, %swap3A_107, %swap3A_108], %swap3A_111 {strides = array<i32>} : memref<2x10000x32xf32, #tpu.memory_space<vmem>>, vector<1x10000x32xf32>,
    return
  }
}

</mosaic_0001>

<sc_bundles>
// kernel: kernel.6.cloned.1.call-start
scs
__scs_entry_jumppad:
0x0: {  	(pc) =	sbr.rel $0x88, $3  }
0x1: {  	(tag) =	ssettag $0x0;
	lr =	simm.s32 $0x1  }
0x2: {  	[smem:$0x3F99] =	sst lr;
	_ =	strace $0xD0000000  }
0x3: {  	_ = 	snop  }
0x4: {  	_ = 	snop  }
0x5: {  	_ = 	snop  }
0x6: {  	_ = 	snop  }
0x7: {  	_ = 	snop  }
__scs_overlays_trampoline_lowered:
0x8: {  	[smem:$0x3FA8] =	sst s0  }
0x9: {  	[smem:$0x3FA9] =	sst s1  }
0xa: {  	[smem:$0x3FAA] =	sst s2  }
0xb: {  	[smem:$0x3FAB] =	sst s3  }
0xc: {  	[smem:$0x3FAC] =	sst s4  }
0xd: {  	[smem:$0x3FAD] =	sst s5  }
0xe: {  	[smem:$0x3FAE] =	sst s6  }
0xf: {  	[smem:$0x3FAF] =	sst s7  }
0x10: {  	[smem:$0x3FB0] =	sst s8  }
0x11: {  	[smem:$0x3FB1] =	sst s9;
	s0 =	simm.s32 @!p0 $0x0  }
0x12: {  	s1 =	sld [smem:$0x3F97];
	s0 =	simm.s32 @p0 $0x1  }
0x13: {  	[smem:$0x3FB2] =	sst s0;
	s0 =	simm.s32 @!p1 $0x0  }
0x14: {  	s2 =	sld [smem:$0x3F96];
	s0 =	simm.s32 @p1 $0x1  }
0x15: {  	[smem:$0x3FB3] =	sst s0;
	s0 =	simm.s32 @!p2 $0x0  }
0x16: {  	s3 =	sld [smem:$0x3FDB];
	s0 =	simm.s32 @p2 $0x1  }
0x17: {  	s4 =	simm.s32 $0x1BF5;
	[smem:$0x3FB5] =	sst s0  }
0x18: {  	s0 =	sld [smem:$0x3F98];
	_ =	swait.ge [sflag:s4], $0x0  }
0x19: {  	s7 =	sld [smem:$0x3F99]  }
0x1a: {  	s8 =	sadd.s32 $0xFFFFE003, lr  }
0x1b: {  	s9 =	sadd.s32 $0xFFFFFEF7, lr;
	s5 =	simm.s32 $0xFFFFFFFF;
	p2 =	slt.u32 s8, $0xFFFFF086  }
0x1c: {  	p1 =	slt.u32 s9, $0xF7A;
	s5 =	simm.s32 @!p2 $0x0  }
0x1d: {  	s5 =	simm.s32 @p1 $0x1;
	p0 =	seq.s32 s7, s2  }
0x1e: {  	s7 =	smul.u32 @!p0 $0xF7A, s2;
	p2 =	seq.s32 @!p0 s5, $0x0  }
0x1f: {  	s9 =	smul.u32 $0xF7A, s1;
	s8 =	simm.s32 @!p0 $0x1BF5;
	p2 =	por !p2, p0  }
0x20: {  	[sflag:s8] =	ssyncset.s32 @!p0 $0xFFFFF086;
	s6 =	sadd.s32 @!p0 s3, s7;
	s7 =	simm.s32 @!p0 $0x108  }
0x21: {  	s3 =	sadd.s32 s3, s9;
	s6 =	sadd.s32 @!p0 $0x88, s6;
	s7 =	simm.s32 @p2 $0x1082  }
0x22: {  	[simem:s7], [sflag:s8] =	dma.local @!p0 [hbm:s6], $0xF7A  }
0x23: {  	s9 =	sor.u32 $0xD0000000, s2;
	s6 =	simm.s32 $0x108;
	_ =	swait.ge @!p0 [sflag:s8], $0x0  }
0x24: {  	s3 =	sadd.s32 $0x88, s3;
	s6 =	simm.s32 @!p1 $0x1082;
	[sflag:s4] =	ssyncset.s32 $0xFFFFF086  }
0x25: {  	[simem:s6], [sflag:s4] =	dma.local [hbm:s3], $0xF7A  }
0x26: {  	[smem:$0x3F99] =	sst s1;
	(tag) =	ssettag s2;
	_ =	strace s9  }
0x27: {  	s1 =	sld [smem:$0x3FA9]  }
0x28: {  	s2 =	sld [smem:$0x3FAA]  }
0x29: {  	s4 =	sld [smem:$0x3FAC]  }
0x2a: {  	p0 =	seq.s32 s5, $0x0;
	s5 =	sld [smem:$0x3FAD]  }
0x2b: {  	s6 =	sld [smem:$0x3FAE]  }
0x2c: {  	s7 =	sld [smem:$0x3FAF]  }
0x2d: {  	s3 =	simm.s32 $0x108;
	s8 =	sld [smem:$0x3FB0]  }
0x2e: {  	s3 =	simm.s32 @!p0 $0x1082;
	s9 =	sld [smem:$0x3FB1]  }
0x2f: {  	lr =	sadd.s32 s0, s3;
	s0 =	sld [smem:$0x3FA8]  }
0x30: {  	s3 =	sld [smem:$0x3FAB]  }
0x31: {  	[smem:$0x3FB4] =	sst s10  }
0x32: {  	s10 =	sld [smem:$0x3FB2];
	_ =	sdelay $0x3  }
0x33: {  	p0 =	seq.s32 s10, $0x1;
	s10 =	sld [smem:$0x3FB4];
	_ =	sdelay $0x3  }
0x34: {  	[smem:$0x3FB4] =	sst s10  }
0x35: {  	s10 =	sld [smem:$0x3FB3];
	_ =	sdelay $0x3  }
0x36: {  	p1 =	seq.s32 s10, $0x1;
	s10 =	sld [smem:$0x3FB4];
	_ =	sdelay $0x3  }
0x37: {  	[smem:$0x3FB4] =	sst s10  }
0x38: {  	s10 =	sld [smem:$0x3FB5]  }
0x39: {  	_ = 	snop;
	(pc) =	sbr.ind lr, $3  }
0x3a: {  	_ = 	snop  }
0x3b: {  	_ = 	snop  }
0x3c: {  	p2 =	seq.s32 s10, $0x1;
	s10 =	sld [smem:$0x3FB4]  }
0x3d: {  	_ =	shalt  }
0x3e: {  	_ =	shalt  }
0x3f: {  	_ =	shalt  }
0x40: {  	_ =	shalt  }
0x41: {  	_ =	shalt  }
0x42: {  	_ =	shalt  }
0x43: {  	_ =	shalt  }
0x44: {  	_ =	shalt  }
0x45: {  	_ =	shalt  }
0x46: {  	_ =	shalt  }
0x47: {  	_ =	shalt  }
0x48: {  	_ =	shalt  }
0x49: {  	_ =	shalt  }
0x4a: {  	_ =	shalt  }
0x4b: {  	_ =	shalt  }
0x4c: {  	_ =	shalt  }
0x4d: {  	_ =	shalt  }
0x4e: {  	_ =	shalt  }
0x4f: {  	_ =	shalt  }
0x50: {  	_ =	shalt  }
0x51: {  	_ =	shalt  }
0x52: {  	_ =	shalt  }
0x53: {  	_ =	shalt  }
0x54: {  	_ =	shalt  }
0x55: {  	_ =	shalt  }
0x56: {  	_ =	shalt  }
0x57: {  	_ =	shalt  }
0x58: {  	_ =	shalt  }
0x59: {  	_ =	shalt  }
0x5a: {  	_ =	shalt  }
0x5b: {  	_ =	shalt  }
0x5c: {  	_ =	shalt  }
0x5d: {  	_ =	shalt  }
0x5e: {  	_ =	shalt  }
0x5f: {  	_ =	shalt  }
0x60: {  	_ =	shalt  }
0x61: {  	_ =	shalt  }
0x62: {  	_ =	shalt  }
0x63: {  	_ =	shalt  }
0x64: {  	_ =	shalt  }
0x65: {  	_ =	shalt  }
0x66: {  	_ =	shalt  }
0x67: {  	_ =	shalt  }
0x68: {  	_ =	shalt  }
0x69: {  	_ =	shalt  }
0x6a: {  	_ =	shalt  }
0x6b: {  	_ =	shalt  }
0x6c: {  	_ =	shalt  }
0x6d: {  	_ =	shalt  }
0x6e: {  	_ =	shalt  }
0x6f: {  	_ =	shalt  }
0x70: {  	_ =	shalt  }
0x71: {  	_ =	shalt  }
0x72: {  	_ =	shalt  }
0x73: {  	_ =	shalt  }
0x74: {  	_ =	shalt  }
0x75: {  	_ =	shalt  }
0x76: {  	_ =	shalt  }
0x77: {  	_ =	shalt  }
0x78: {  	_ =	shalt  }
0x79: {  	_ =	shalt  }
0x7a: {  	_ =	shalt  }
0x7b: {  	_ =	shalt  }
0x7c: {  	_ =	shalt  }
0x7d: {  	_ =	shalt  }
0x7e: {  	_ =	shalt  }
0x7f: {  	_ =	shalt  }
0x80: {  	_ =	shalt  }
0x81: {  	_ =	shalt  }
0x82: {  	_ =	shalt  }
0x83: {  	_ =	shalt  }
0x84: {  	_ =	shalt  }
0x85: {  	_ =	shalt  }
0x86: {  	_ =	shalt  }
0x87: {  	_ =	shalt  }
.Lfunc_end0:
.L_simem_size_0:
called_computation_lowered:
.L_overlay_start_0:
0x88: {  	s2 =	sld [smem:$0x3FD9]  }
0x89: {  	s3 =	sld [smem:$0x3FFE];
	_ =	sdelay $0x1  }
0x8a: {  	s1 =	srdreg.scid  }
0x8b: {  	s0 =	sand.u32 $0x1, s1  }
0x8c: {  	s17 =	sshll.u32 s0, $0xA;
	s2 =	sadd.s32 s3, s2  }
0x8d: {  	s2 =	sadd.s32 s2, s17  }
0x8e: {  	[smem:$0x3FC0] =	sst s2  }
0x8f: {  	_ = 	snop  }
0x90: {  	s2 =	sld [smem:$0x3FD0];
	(tm) =	ssettm $0x1  }
0x91: {  	s18 =	sld [smem:$0x3FFB];
	_ =	sdelay $0x3  }
0x92: {  	_ =	strace s18  }
0x93: {  	s3 =	sld [smem:$0x3FFC];
	_ =	sdelay $0x3  }
0x94: {  	_ =	strace s3  }
0x95: {  	s3 =	sld [smem:$0x3FFD];
	_ =	sdelay $0x3  }
0x96: {  	_ =	strace s3  }
0x97: {  	_ =	strace $0x8FFFFFFF  }
0x98: {  	s19 =	sld [smem:$0x3FDB];
	_ =	sdelay $0x1  }
0x99: {  	s4 =	simm.s32 $_scs_section_size  }
0x9a: {  	s5 =	simm.s32 $_size__tile_overlayer_lowered;
	s6 =	simm.s32 $_tile_overlayer_lowered  }
0x9b: {  	s22 =	simm.s32 $0x1BFF;
	s21 =	sshll.u32 s6, $0x1;
	s3 =	sadd.s32 s4, s19  }
0x9c: {  	s7 =	simm.s32 $0x0;
	s20 =	sshll.u32 s5, $0x1;
	s5 =	sadd.s32 s21, s3  }
0x9d: {  	[timem:s7], [sflag:s22] =	dma.local [hbm:s5], s20  }
0x9e: {  	_ =	swait.ge [sflag:s22], s20  }
0x9f: {  	s4 =	ssub.s32 $0x0, s20;
	[sflag:s22] =	ssyncset.done $0x0  }
0xa0: {  	[sflag:s22] =	ssyncadd.s32 s4;
	_ =	sdelay $0x1  }
0xa1: {  	s23 =	simm.s32 $0x1B8B  }
0xa2: {  	_ =	swait.ge [sflag:s23], $0x1  }
0xa3: {  	[sflag:s23] =	ssyncset.done $0x0  }
0xa4: {  	s25 =	simm.s32 $0x1B8E;
	s24 =	sld [smem:$0x3FFE];
	[sflag:s23] =	ssyncadd.s32 $0xFFFFFFFF  }
0xa5: {  	s26 =	simm.s32 $execute0_lowered;
	[smem:$0x3FD2] =	sst s25  }
0xa6: {  	s5 =	sshll.u32 s26, $0x1;
	_ =	strace $0x80000046;
	[dreg:$0x1] =	wrdreg $0xFFFFFFFF  }
0xa7: {  	s28 =	simm.s32 $_size_execute0_lowered;
	s3 =	sadd.s32 s3, s5;
	[dreg:$0x0] =	wrdreg $0x0  }
0xa8: {  	s5 =	sshll.u32 s28, $0x1;
	[dreg:$0x2] =	wrdreg s3  }
0xa9: {  	[dreg:$0x3] =	wrdreg s5  }
0xaa: {  	[dreg:$0x4] =	wrdreg $0xC0  }
0xab: {  	_ =	task [dreg:s7], $0x5FFFF  }
0xac: {  	[dreg:$0x1] =	wrdreg $0xFFFFFFFF  }
0xad: {  	[dreg:$0x0] =	wrdreg $0x60  }
0xae: {  	[dreg:$0x2] =	wrdreg s24  }
0xaf: {  	[dreg:$0x3] =	wrdreg s2  }
0xb0: {  	[dreg:$0x4] =	wrdreg $0x9E000  }
0xb1: {  	[dreg:$0x5] =	wrdreg $0x0  }
0xb2: {  	[dreg:$0x6] =	wrdreg $0x9  }
0xb3: {  	_ =	task.clear_ibuf [dreg:s7], $0x7FFFF;
	_ =	strace $0x90000046  }
0xb4: {  	s29 =	simm.s32 $0x9;
	_ =	strace $0x80000048  }
0xb5: {  	_ =	swait.ge [sflag:s29], $0x1  }
0xb6: {  	[sflag:s29] =	ssyncadd.s32 $0xFFFFFFFF  }
0xb7: {  	_ =	strace $0x90000048  }
0xb8: {  	_ =	sfence  }
0xb9: {  	s30 =	sld [smem:$0x0];
	_ =	sdelay $0x2  }
0xba: {  	s31 =	sshll.u32 s1, $0xD;
	s1 =	sshrl.u32 s1, $0x2  }
0xbb: {  	s3 =	sand.u32 $0x4000, s31;
	s1 =	sadd.s32 s1, s30  }
0xbc: {  	s0 =	sor.u32 s3, s0;
	s1 =	sshll.u32 s1, $0x11  }
0xbd: {  	s0 =	sor.u32 s1, s0  }
0xbe: {  	s0 =	sadd.s32 $0x8F2B, s0  }
0xbf: {  	[sflag:s0] =	ssyncadd.remote.s32 $0x1  }
0xc0: {  	_ =	sfence.sel $0xFFFF  }
0xc1: {  	[dreg:$0x0] =	wrdreg $0xFFFFFFFF;
	(pc) =	sbr.abs _section_cstart, $3  }
0xc2: {  	[dreg:$0x1] =	wrdreg $0xFFFFFFFF  }
0xc3: {  	_ =	task.clear_ibuf [dreg:s7], $0x2FFFF;
	_ =	strace $0x9FFFFFFF  }
0xc4: {  	(tm) =	ssettm $0x7FFFFFFF  }
0xc5: {  	_ =	shalt  }
tec
execute0_lowered:
.L_overlay_start_1:
0x0: {  	(tag) =	ssettag $0x1  }
0x1: {  	s5 =	rddreg [dreg:$0x0]  }
0x2: {  	s9 =	rddreg [dreg:$0x1]  }
0x3: {  	s2 =	rddreg [dreg:$0x2]  }
0x4: {  	s0 =	srdreg.scid;
	s3 =	rddreg [dreg:$0x3]  }
0x5: {  	s1 =	rddreg [dreg:$0x4];
	s4 =	simm.s32 $0x0;
	s6 =	sand.u32 $0x1, s0  }
0x6: {  	s16 =	simm.s32 $0x1;
	s0 =	stileid.u32;
	s7 =	smul.u32 $0x9C400, s6  }
0x7: {  	s17 =	simm.s32 $0x80;
	s18 =	simm.s32 $0x1DA40;
	s8 =	smul.u32 $0x9C40, s0  }
0x8: {  	s19 =	simm.s32 $0x2;
	[smem:$0x7FF] =	sst s4;
	s10 =	smul.u32 $0x9E00, s0  }
0x9: {  	s21 =	simm.s32 $0x0;
	s11 =	smul.u32 $0x9E000, s6;
	_ =	strace $0x80000047  }
0xa: {  	s12 =	smul.u32 $0xA00, s0;
	s6 =	ssub.s32 $0x2, s6;
	s20 =	sshll.u32 s0, $0x6  }
0xb: {  	s13 =	sshrl.u32 s6, $0x1;
	s7 =	sadd.s32 s8, s7;
	s11 =	sadd.s32 s10, s11  }
0xc: {  	s12 =	sadd.s32 s12, s5;
	s13 =	ssub.s32 s6, s13;
	s14 =	sadd.s32 s8, s2  }
0xd: {  	s31 =	sshrl.u32 s10, $0x3;
	s8 =	sor.u32 $0x1C01, s20;
	s15 =	sadd.s32 s10, s3  }
0xe: {  	s20 =	sor.u32 $0x1C02, s20;
	s7 =	sshrl.u32 s7, $0x3;
	s11 =	sshrl.u32 s11, $0x3  }
0xf: {  	s6 =	sadd.s32 $0x31E00, s12;
	s9 =	sadd.s32 s9, s31;
	s14 =	sshrl.u32 s14, $0x3  }
0x10: {  	s15 =	sshrl.u32 s15, $0x3;
	s7 =	sadd.s32 s7, s5;
	s11 =	sadd.s32 s11, s5  }
0x11: {  	s5 =	sadd.s32 $0x27E00, s12;
	s12 =	simm.s32 $0x13A40;
	s7 =	sadd.s32 $0xC00, s7  }
0x12: {  	s10 =	sadd.s32 $0x3BE00, s11;
	s11 =	smax.u32 s13, $0x1;
	s13 =	simm.s32 $0x18A40  }
.LBB2_1:
0x13: {  	[tilespmem:s12], [sflag:$0x1] =	stream.linear.gather [hbm4b:s5+s4], $0x5000, $0x38;
	[tilespmem:$0x1FA40] =	vst v63  }
0x14: {  	_ = 	snop  }
0x15: {  	[tilespmem:s13], [sflag:$0x1] =	stream.linear.gather [hbm4b:s6+s4], $0x5000, $0x38;
	[tilespmem:$0x1FA40] =	vst v63  }
0x16: {  	[spmem:s14], [sflag:s8] =	dma.local [hbm:s7], $0x1388  }
0x17: {  	[spmem:s15], [sflag:s8] =	dma.local [hbm:s9], $0x13C0  }
0x18: {  	_ =	swait.ge [sflag:s16], $0x5000  }
0x19: {  	[sflag:s16] =	ssyncset.done $0x0  }
0x1a: {  	[sflag:s16] =	ssyncadd.s32 $0xFFFFB000  }
0x1b: {  	_ =	swait.ge [sflag:s16], $0x5000  }
0x1c: {  	[sflag:s16] =	ssyncset.done $0x0  }
0x1d: {  	[sflag:s16] =	ssyncadd.s32 $0xFFFFB000  }
0x1e: {  	_ =	swait.ge [sflag:s16], $0x1388  }
0x1f: {  	[sflag:s16] =	ssyncset.done $0x0  }
0x20: {  	[sflag:s16] =	ssyncadd.s32 $0xFFFFEC78  }
0x21: {  	_ =	swait.ge [sflag:s16], $0x13C0  }
0x22: {  	[sflag:s16] =	ssyncset.done $0x0  }
0x23: {  	[sflag:s16] =	ssyncadd.s32 $0xFFFFEC40  }
0x24: {  	s22 =	simm.s32 $0x13A40;
	[bflag:$0x0] =	sbarrier.arrive $0xFFFF  }
0x25: {  	[tilespmem:s18], [sflag:$0x1] =	stream.indirect.gather [spmem:s2], $0x40, s22, s17, $0xb8;
	[tilespmem:$0x1FA40] =	vst v63  }
0x26: {  	_ =	swait.ge [sflag:s16], $0x2000  }
0x27: {  	[sflag:s16] =	ssyncset.done $0x0  }
0x28: {  	s31 =	simm.s32 $0x18A40;
	[sflag:s16] =	ssyncadd.s32 $0xFFFFE000  }
0x29: {  	[spmem:s3] =	stream.indirect.scatter.add.f32 [tilespmem:s18], [sflag:$0x2], $0x40, s31, s17, $0xb8;
	[tilespmem:$0x1FA40] =	vst v63  }
0x2a: {  	_ =	swait.ge [sflag:s19], $0x2000  }
0x2b: {  	s23 =	simm.s32 $0x400;
	s22 =	simm.s32 $0x80;
	[sflag:s19] =	ssyncset.done $0x0  }
.LBB2_2:
0x2c: {  	s24 =	sadd.s32 $0x13A40, s22  }
0x2d: {  	[sflag:s19] =	ssyncadd.s32 $0xFFFFE000;
	s25 =	smov.u32 s23;
	s26 =	sadd.s32 $0x200, s23  }
0x2e: {  	[tilespmem:s18], [sflag:$0x1] =	stream.indirect.gather [spmem:s2], $0x40, s24, s17, $0xb8;
	[tilespmem:$0x1FA40] =	vst v63  }
0x2f: {  	p0 =	sne.s32 s23, $0x13E00;
	_ =	swait.ge [sflag:s16], $0x2000  }
.Ltmp0:
0x30: {  	[sflag:s16] =	ssyncset.done $0x0;
	(pc) =	sbr.rel @p0 .LBB2_2-.Ltmp0, $4  }
0x31: {  	s22 =	sadd.s32 $0x18A40, s22;
	[sflag:s16] =	ssyncadd.s32 $0xFFFFE000  }
0x32: {  	[spmem:s3] =	stream.indirect.scatter.add.f32 [tilespmem:s18], [sflag:$0x2], $0x40, s22, s17, $0xb8;
	[tilespmem:$0x1FA40] =	vst v63  }
0x33: {  	_ =	swait.ge [sflag:s19], $0x2000  }
0x34: {  	s23 =	smov.u32 s26;
	s22 =	sshra.s32 s25, $0x2;
	[sflag:s19] =	ssyncset.done $0x0  }
0x35: {  	s23 =	sadd.s32 $0x13A40, s22;
	[sflag:s19] =	ssyncadd.s32 $0xFFFFE000  }
0x36: {  	[tilespmem:s18], [sflag:$0x1] =	stream.indirect.gather [spmem:s2], $0x40, s23, s17, $0xb8;
	[tilespmem:$0x1FA40] =	vst v63  }
0x37: {  	_ =	swait.ge [sflag:s16], $0x2000  }
0x38: {  	[sflag:s16] =	ssyncset.done $0x0  }
0x39: {  	s31 =	sadd.s32 $0x18A40, s22;
	[sflag:s16] =	ssyncadd.s32 $0xFFFFE000  }
0x3a: {  	[spmem:s3] =	stream.indirect.scatter.add.f32 [tilespmem:s18], [sflag:$0x2], $0x40, s31, s17, $0xb8;
	[tilespmem:$0x1FA40] =	vst v63  }
0x3b: {  	_ =	swait.ge [sflag:s19], $0x2000  }
0x3c: {  	s21 =	sadd.s32 $0x1, s21;
	[sflag:s19] =	ssyncset.done $0x0  }
0x3d: {  	p0 =	sne.s32 s21, s11;
	[sflag:s19] =	ssyncadd.s32 $0xFFFFE000  }
.Ltmp1:
0x3e: {  	[bflag:$0x0] =	sbarrier.arrive $0xFFFF;
	(pc) =	sbr.rel @p0 .LBB2_1-.Ltmp1, $4  }
0x3f: {  	[hbm:s10], [sflag:s20] =	dma.local [spmem:s15], $0x13C0  }
0x40: {  	_ =	swait.ge [sflag:s19], $0x13C0  }
0x41: {  	[sflag:s19] =	ssyncset.done $0x0  }
0x42: {  	[sflag:s19] =	ssyncadd.s32 $0xFFFFEC40  }
0x43: {  	_ =	sfence.sel $0x180000  }
0x44: {  	[bflag:$0x0] =	sbarrier.arrive $0xFFFF  }
0x45: {  	p0 =	sne.s32 s0, $0x0;
	_ =	strace $0x90000047  }
0x46: {  	s0 =	sadd.s32 @!p0 $0x100000, s1;
	[bflag:$0x2] =	sbarrier.arrive $0xFFFF  }
0x47: {  	[sflag:s0] =	ssyncadd.tile.s32 @!p0 $0x1;
	_ =	shalt  }
.Lfunc_end2:
_tile_overlayer_lowered:
.L_overlay_start_2:
0x48: {  	(tag) =	ssettag $0x2  }
0x49: {  	s0 =	rddreg [dreg:$0x0];
	s2 =	stileid.u32  }
0x4a: {  	s1 =	rddreg [dreg:$0x1];
	p0 =	sne.s32 s2, $0x0  }
0x4b: {  	s3 =	rddreg [dreg:$0x2];
	[bflag:$0x3] =	sbarrier.arrive $0xFFFF;
	s2 =	simm.s32 @!p0 $0x1C02  }
0x4c: {  	[timem:s3], [sflag:s2] =	dma.local @!p0 [hbm:s0], s1  }
0x4d: {  	s0 =	simm.s32 @!p0 $0x2  }
0x4e: {  	_ =	swait.ge @!p0 [sflag:s0], s1  }
0x4f: {  	s1 =	ssub.s32 @!p0 $0x0, s1;
	[sflag:s0] =	ssyncset.done @!p0 $0x0  }
0x50: {  	[sflag:s0] =	ssyncadd.s32 @!p0 s1  }
0x51: {  	[bflag:$0x3] =	sbarrier.arrive $0xFFFF  }
0x52: {  	_ =	shalt  }

// kernel: kernel.9.cloned.1.call-start
scs
__scs_entry_jumppad:
0x0: {  	(pc) =	sbr.rel $0x88, $3  }
0x1: {  	(tag) =	ssettag $0x0;
	lr =	simm.s32 $0x1  }
0x2: {  	[smem:$0x3F99] =	sst lr;
	_ =	strace $0xD0000000  }
0x3: {  	_ = 	snop  }
0x4: {  	_ = 	snop  }
0x5: {  	_ = 	snop  }
0x6: {  	_ = 	snop  }
0x7: {  	_ = 	snop  }
__scs_overlays_trampoline_lowered:
0x8: {  	[smem:$0x3FA8] =	sst s0  }
0x9: {  	[smem:$0x3FA9] =	sst s1  }
0xa: {  	[smem:$0x3FAA] =	sst s2  }
0xb: {  	[smem:$0x3FAB] =	sst s3  }
0xc: {  	[smem:$0x3FAC] =	sst s4  }
0xd: {  	[smem:$0x3FAD] =	sst s5  }
0xe: {  	[smem:$0x3FAE] =	sst s6  }
0xf: {  	[smem:$0x3FAF] =	sst s7  }
0x10: {  	[smem:$0x3FB0] =	sst s8  }
0x11: {  	[smem:$0x3FB1] =	sst s9;
	s0 =	simm.s32 @!p0 $0x0  }
0x12: {  	s1 =	sld [smem:$0x3F97];
	s0 =	simm.s32 @p0 $0x1  }
0x13: {  	[smem:$0x3FB2] =	sst s0;
	s0 =	simm.s32 @!p1 $0x0  }
0x14: {  	s2 =	sld [smem:$0x3F96];
	s0 =	simm.s32 @p1 $0x1  }
0x15: {  	[smem:$0x3FB3] =	sst s0;
	s0 =	simm.s32 @!p2 $0x0  }
0x16: {  	s3 =	sld [smem:$0x3FDB];
	s0 =	simm.s32 @p2 $0x1  }
0x17: {  	s4 =	simm.s32 $0x1BF5;
	[smem:$0x3FB5] =	sst s0  }
0x18: {  	s0 =	sld [smem:$0x3F98];
	_ =	swait.ge [sflag:s4], $0x0  }
0x19: {  	s7 =	sld [smem:$0x3F99]  }
0x1a: {  	s8 =	sadd.s32 $0xFFFFE003, lr  }
0x1b: {  	s9 =	sadd.s32 $0xFFFFFEF7, lr;
	s5 =	simm.s32 $0xFFFFFFFF;
	p2 =	slt.u32 s8, $0xFFFFF086  }
0x1c: {  	p1 =	slt.u32 s9, $0xF7A;
	s5 =	simm.s32 @!p2 $0x0  }
0x1d: {  	s5 =	simm.s32 @p1 $0x1;
	p0 =	seq.s32 s7, s2  }
0x1e: {  	s7 =	smul.u32 @!p0 $0xF7A, s2;
	p2 =	seq.s32 @!p0 s5, $0x0  }
0x1f: {  	s9 =	smul.u32 $0xF7A, s1;
	s8 =	simm.s32 @!p0 $0x1BF5;
	p2 =	por !p2, p0  }
0x20: {  	[sflag:s8] =	ssyncset.s32 @!p0 $0xFFFFF086;
	s6 =	sadd.s32 @!p0 s3, s7;
	s7 =	simm.s32 @!p0 $0x108  }
0x21: {  	s3 =	sadd.s32 s3, s9;
	s6 =	sadd.s32 @!p0 $0x88, s6;
	s7 =	simm.s32 @p2 $0x1082  }
0x22: {  	[simem:s7], [sflag:s8] =	dma.local @!p0 [hbm:s6], $0xF7A  }
0x23: {  	s9 =	sor.u32 $0xD0000000, s2;
	s6 =	simm.s32 $0x108;
	_ =	swait.ge @!p0 [sflag:s8], $0x0  }
0x24: {  	s3 =	sadd.s32 $0x88, s3;
	s6 =	simm.s32 @!p1 $0x1082;
	[sflag:s4] =	ssyncset.s32 $0xFFFFF086  }
0x25: {  	[simem:s6], [sflag:s4] =	dma.local [hbm:s3], $0xF7A  }
0x26: {  	[smem:$0x3F99] =	sst s1;
	(tag) =	ssettag s2;
	_ =	strace s9  }
0x27: {  	s1 =	sld [smem:$0x3FA9]  }
0x28: {  	s2 =	sld [smem:$0x3FAA]  }
0x29: {  	s4 =	sld [smem:$0x3FAC]  }
0x2a: {  	p0 =	seq.s32 s5, $0x0;
	s5 =	sld [smem:$0x3FAD]  }
0x2b: {  	s6 =	sld [smem:$0x3FAE]  }
0x2c: {  	s7 =	sld [smem:$0x3FAF]  }
0x2d: {  	s3 =	simm.s32 $0x108;
	s8 =	sld [smem:$0x3FB0]  }
0x2e: {  	s3 =	simm.s32 @!p0 $0x1082;
	s9 =	sld [smem:$0x3FB1]  }
0x2f: {  	lr =	sadd.s32 s0, s3;
	s0 =	sld [smem:$0x3FA8]  }
0x30: {  	s3 =	sld [smem:$0x3FAB]  }
0x31: {  	[smem:$0x3FB4] =	sst s10  }
0x32: {  	s10 =	sld [smem:$0x3FB2];
	_ =	sdelay $0x3  }
0x33: {  	p0 =	seq.s32 s10, $0x1;
	s10 =	sld [smem:$0x3FB4];
	_ =	sdelay $0x3  }
0x34: {  	[smem:$0x3FB4] =	sst s10  }
0x35: {  	s10 =	sld [smem:$0x3FB3];
	_ =	sdelay $0x3  }
0x36: {  	p1 =	seq.s32 s10, $0x1;
	s10 =	sld [smem:$0x3FB4];
	_ =	sdelay $0x3  }
0x37: {  	[smem:$0x3FB4] =	sst s10  }
0x38: {  	s10 =	sld [smem:$0x3FB5]  }
0x39: {  	_ = 	snop;
	(pc) =	sbr.ind lr, $3  }
0x3a: {  	_ = 	snop  }
0x3b: {  	_ = 	snop  }
0x3c: {  	p2 =	seq.s32 s10, $0x1;
	s10 =	sld [smem:$0x3FB4]  }
0x3d: {  	_ =	shalt  }
0x3e: {  	_ =	shalt  }
0x3f: {  	_ =	shalt  }
0x40: {  	_ =	shalt  }
0x41: {  	_ =	shalt  }
0x42: {  	_ =	shalt  }
0x43: {  	_ =	shalt  }
0x44: {  	_ =	shalt  }
0x45: {  	_ =	shalt  }
0x46: {  	_ =	shalt  }
0x47: {  	_ =	shalt  }
0x48: {  	_ =	shalt  }
0x49: {  	_ =	shalt  }
0x4a: {  	_ =	shalt  }
0x4b: {  	_ =	shalt  }
0x4c: {  	_ =	shalt  }
0x4d: {  	_ =	shalt  }
0x4e: {  	_ =	shalt  }
0x4f: {  	_ =	shalt  }
0x50: {  	_ =	shalt  }
0x51: {  	_ =	shalt  }
0x52: {  	_ =	shalt  }
0x53: {  	_ =	shalt  }
0x54: {  	_ =	shalt  }
0x55: {  	_ =	shalt  }
0x56: {  	_ =	shalt  }
0x57: {  	_ =	shalt  }
0x58: {  	_ =	shalt  }
0x59: {  	_ =	shalt  }
0x5a: {  	_ =	shalt  }
0x5b: {  	_ =	shalt  }
0x5c: {  	_ =	shalt  }
0x5d: {  	_ =	shalt  }
0x5e: {  	_ =	shalt  }
0x5f: {  	_ =	shalt  }
0x60: {  	_ =	shalt  }
0x61: {  	_ =	shalt  }
0x62: {  	_ =	shalt  }
0x63: {  	_ =	shalt  }
0x64: {  	_ =	shalt  }
0x65: {  	_ =	shalt  }
0x66: {  	_ =	shalt  }
0x67: {  	_ =	shalt  }
0x68: {  	_ =	shalt  }
0x69: {  	_ =	shalt  }
0x6a: {  	_ =	shalt  }
0x6b: {  	_ =	shalt  }
0x6c: {  	_ =	shalt  }
0x6d: {  	_ =	shalt  }
0x6e: {  	_ =	shalt  }
0x6f: {  	_ =	shalt  }
0x70: {  	_ =	shalt  }
0x71: {  	_ =	shalt  }
0x72: {  	_ =	shalt  }
0x73: {  	_ =	shalt  }
0x74: {  	_ =	shalt  }
0x75: {  	_ =	shalt  }
0x76: {  	_ =	shalt  }
0x77: {  	_ =	shalt  }
0x78: {  	_ =	shalt  }
0x79: {  	_ =	shalt  }
0x7a: {  	_ =	shalt  }
0x7b: {  	_ =	shalt  }
0x7c: {  	_ =	shalt  }
0x7d: {  	_ =	shalt  }
0x7e: {  	_ =	shalt  }
0x7f: {  	_ =	shalt  }
0x80: {  	_ =	shalt  }
0x81: {  	_ =	shalt  }
0x82: {  	_ =	shalt  }
0x83: {  	_ =	shalt  }
0x84: {  	_ =	shalt  }
0x85: {  	_ =	shalt  }
0x86: {  	_ =	shalt  }
0x87: {  	_ =	shalt  }
.Lfunc_end0:
.L_simem_size_0:
called_computation.1_lowered:
.L_overlay_start_0:
0x88: {  	s2 =	sld [smem:$0x3FD9]  }
0x89: {  	s3 =	sld [smem:$0x3FFE];
	_ =	sdelay $0x1  }
0x8a: {  	s1 =	srdreg.scid  }
0x8b: {  	s0 =	sand.u32 $0x1, s1  }
0x8c: {  	s17 =	sshll.u32 s0, $0xA;
	s2 =	sadd.s32 s3, s2  }
0x8d: {  	s2 =	sadd.s32 s2, s17  }
0x8e: {  	[smem:$0x3FC0] =	sst s2  }
0x8f: {  	_ = 	snop  }
0x90: {  	s2 =	sld [smem:$0x3FC3]  }
0x91: {  	s18 =	sld [smem:$0x3FC2]  }
0x92: {  	s4 =	sld [smem:$0x3FD0];
	(tm) =	ssettm $0x1  }
0x93: {  	s5 =	sld [smem:$0x3FFB];
	_ =	sdelay $0x3  }
0x94: {  	_ =	strace s5  }
0x95: {  	s5 =	sld [smem:$0x3FFC];
	_ =	sdelay $0x3  }
0x96: {  	_ =	strace s5  }
0x97: {  	s5 =	sld [smem:$0x3FFD];
	_ =	sdelay $0x3  }
0x98: {  	_ =	strace s5  }
0x99: {  	_ =	strace $0x8FFFFFFF  }
0x9a: {  	s19 =	sld [smem:$0x3FDB];
	_ =	sdelay $0x1  }
0x9b: {  	s6 =	simm.s32 $_scs_section_size  }
0x9c: {  	s7 =	simm.s32 $_size__tile_overlayer_lowered;
	s8 =	simm.s32 $_tile_overlayer_lowered  }
0x9d: {  	s22 =	simm.s32 $0x1BFF;
	s21 =	sshll.u32 s8, $0x1;
	s5 =	sadd.s32 s6, s19  }
0x9e: {  	s9 =	simm.s32 $0x0;
	s20 =	sshll.u32 s7, $0x1;
	s7 =	sadd.s32 s21, s5  }
0x9f: {  	[timem:s9], [sflag:s22] =	dma.local [hbm:s7], s20  }
0xa0: {  	_ =	swait.ge [sflag:s22], s20  }
0xa1: {  	s6 =	ssub.s32 $0x0, s20;
	[sflag:s22] =	ssyncset.done $0x0  }
0xa2: {  	[sflag:s22] =	ssyncadd.s32 s6;
	_ =	sdelay $0x1  }
0xa3: {  	s23 =	simm.s32 $0x1B8B  }
0xa4: {  	_ =	swait.ge [sflag:s23], $0x1  }
0xa5: {  	[sflag:s23] =	ssyncset.done $0x0  }
0xa6: {  	s25 =	simm.s32 $0x1B8E;
	s24 =	sld [smem:$0x3FFE];
	[sflag:s23] =	ssyncadd.s32 $0xFFFFFFFF  }
0xa7: {  	s26 =	simm.s32 $execute0_lowered;
	[smem:$0x3FD2] =	sst s25  }
0xa8: {  	s7 =	sshll.u32 s26, $0x1;
	_ =	strace $0x80000049;
	[dreg:$0x1] =	wrdreg $0xFFFFFFFF  }
0xa9: {  	s28 =	simm.s32 $_size_execute0_lowered;
	s5 =	sadd.s32 s5, s7;
	[dreg:$0x0] =	wrdreg $0x0  }
0xaa: {  	s7 =	sshll.u32 s28, $0x1;
	[dreg:$0x2] =	wrdreg s5  }
0xab: {  	[dreg:$0x3] =	wrdreg s7  }
0xac: {  	[dreg:$0x4] =	wrdreg $0xC0  }
0xad: {  	_ =	task [dreg:s9], $0x5FFFF  }
0xae: {  	[dreg:$0x1] =	wrdreg $0xFFFFFFFF  }
0xaf: {  	[dreg:$0x0] =	wrdreg $0x60  }
0xb0: {  	[dreg:$0x2] =	wrdreg s4  }
0xb1: {  	[dreg:$0x3] =	wrdreg s24  }
0xb2: {  	[dreg:$0x4] =	wrdreg s2  }
0xb3: {  	[dreg:$0x5] =	wrdreg s18  }
0xb4: {  	[dreg:$0x6] =	wrdreg $0x4F000  }
0xb5: {  	[dreg:$0x7] =	wrdreg $0x0  }
0xb6: {  	[dreg:$0x8] =	wrdreg $0x9D200  }
0xb7: {  	[dreg:$0x9] =	wrdreg $0x9  }
0xb8: {  	_ =	task.clear_ibuf [dreg:s9], $0xAFFFF;
	_ =	strace $0x90000049  }
0xb9: {  	s29 =	simm.s32 $0x9;
	_ =	strace $0x8000004B  }
0xba: {  	_ =	swait.ge [sflag:s29], $0x1  }
0xbb: {  	[sflag:s29] =	ssyncadd.s32 $0xFFFFFFFF  }
0xbc: {  	_ =	strace $0x9000004B  }
0xbd: {  	_ =	sfence  }
0xbe: {  	s30 =	sld [smem:$0x0];
	_ =	sdelay $0x2  }
0xbf: {  	s31 =	sshll.u32 s1, $0xD;
	s1 =	sshrl.u32 s1, $0x2  }
0xc0: {  	s3 =	sand.u32 $0x4000, s31;
	s1 =	sadd.s32 s1, s30  }
0xc1: {  	s0 =	sor.u32 s3, s0;
	s1 =	sshll.u32 s1, $0x11  }
0xc2: {  	s0 =	sor.u32 s1, s0  }
0xc3: {  	s0 =	sadd.s32 $0x8F2B, s0  }
0xc4: {  	[sflag:s0] =	ssyncadd.remote.s32 $0x1  }
0xc5: {  	_ =	sfence.sel $0xFFFF  }
0xc6: {  	[dreg:$0x0] =	wrdreg $0xFFFFFFFF;
	(pc) =	sbr.abs _section_cstart, $3  }
0xc7: {  	[dreg:$0x1] =	wrdreg $0xFFFFFFFF  }
0xc8: {  	_ =	task.clear_ibuf [dreg:s9], $0x2FFFF;
	_ =	strace $0x9FFFFFFF  }
0xc9: {  	(tm) =	ssettm $0x7FFFFFFF  }
tec
execute0_lowered:
.L_overlay_start_1:
0x0: {  	(tag) =	ssettag $0x1  }
0x1: {  	s0 =	rddreg [dreg:$0x0]  }
0x2: {  	s2 =	rddreg [dreg:$0x1]  }
0x3: {  	s4 =	rddreg [dreg:$0x2]  }
0x4: {  	s9 =	rddreg [dreg:$0x3]  }
0x5: {  	s1 =	rddreg [dreg:$0x4]  }
0x6: {  	s3 =	rddreg [dreg:$0x5]  }
0x7: {  	s18 =	rddreg [dreg:$0x6];
	s5 =	simm.s32 $0x0;
	s15 =	stileid.u32  }
0x8: {  	s7 =	srdreg.scid;
	s28 =	simm.s32 $0x14D60;
	s6 =	smul.u32 $0xA00, s15  }
0x9: {  	s29 =	simm.s32 $0x19B80;
	s30 =	simm.s32 $0x19BC0;
	s12 =	smul.u32 $0x4F00, s15  }
0xa: {  	s31 =	simm.s32 $0x20;
	[smem:$0x7FF] =	sst s5;
	s17 =	smul.u32 $0x9C40, s15  }
0xb: {  	s8 =	sand.u32 $0x1, s7;
	s14 =	smul.u32 $0x4E20, s15;
	s15 =	sshll.u32 s15, $0x6  }
0xc: {  	_ =	strace $0x8000004A;
	s11 =	sshll.u32 s8, $0x5;
	s21 =	ssub.s32 $0x2, s8  }
0xd: {  	s23 =	smul.u32 $0x4E200, s8;
	s24 =	sshll.u32 s8, $0x2;
	s10 =	sadd.s32 s6, s2  }
0xe: {  	s19 =	sshrl.u32 s12, $0x3;
	s20 =	sor.u32 s11, s17;
	s22 =	sshrl.u32 s21, $0x1  }
0xf: {  	s8 =	sadd.s32 s4, s24;
	s9 =	sadd.s32 s9, s24;
	s17 =	sadd.s32 s14, s1  }
0x10: {  	s11 =	sor.u32 $0x1C01, s15;
	s26 =	sadd.s32 s12, s3;
	s24 =	simm.s32 $0x80  }
0x11: {  	s13 =	sadd.s32 s19, s2;
	s6 =	sshrl.u32 s20, $0x3;
	s16 =	ssub.s32 s21, s22  }
0x12: {  	s7 =	sadd.s32 $0x31E00, s10;
	s25 =	sadd.s32 s14, s23;
	s21 =	sshrl.u32 s17, $0x3  }
0x13: {  	s22 =	sshrl.u32 s26, $0x3;
	s23 =	simm.s32 $0x1;
	s26 =	simm.s32 $0x2  }
0x14: {  	s2 =	sadd.s32 s6, s2;
	s6 =	sadd.s32 $0x27E00, s10;
	s4 =	sshrl.u32 s25, $0x3  }
0x15: {  	s12 =	sadd.s32 $0xC00, s13;
	s13 =	sadd.s32 s14, s3;
	s14 =	sadd.s32 s15, s18  }
0x16: {  	s16 =	smax.u32 s16, $0x1;
	s25 =	simm.s32 $0x13D60;
	s10 =	sadd.s32 s0, s4  }
0x17: {  	s15 =	sadd.s32 $0xAA00, s2;
	s0 =	simm.s32 $0x40;
	s2 =	simm.s32 $0x0  }
.LBB2_1:
0x18: {  	s4 =	simm.s32 $0x9D60  }
0x19: {  	[tilespmem:s4], [sflag:$0x1] =	stream.linear.gather [hbm4b:s6+s5], $0x5000, $0x38;
	[tilespmem:$0x1A000] =	vst v63  }
0x1a: {  	s20 =	simm.s32 $0xED60  }
0x1b: {  	[tilespmem:s20], [sflag:$0x1] =	stream.linear.gather [hbm4b:s7+s5], $0x5000, $0x38;
	[tilespmem:$0x1A000] =	vst v63  }
0x1c: {  	s17 =	simm.s32 $0x19FC0  }
0x1d: {  	[tilespmem:s17], [sflag:$0x1] =	stream.linear.gather [hbm4b:s8+s5], $0x20, $0x38;
	[tilespmem:$0x1A000] =	vst v63  }
0x1e: {  	s18 =	simm.s32 $0x19FE0  }
0x1f: {  	[tilespmem:s18], [sflag:$0x1] =	stream.linear.gather [hbm4b:s9+s5], $0x20, $0x38;
	[tilespmem:$0x1A000] =	vst v63  }
0x20: {  	[spmem:s21], [sflag:s11] =	dma.local [hbm:s10], $0x9C4  }
0x21: {  	[spmem:s22], [sflag:s11] =	dma.local [hbm:s12], $0x9E0  }
0x22: {  	_ =	swait.ge [sflag:s23], $0x5000  }
0x23: {  	[sflag:s23] =	ssyncset.done $0x0  }
0x24: {  	[sflag:s23] =	ssyncadd.s32 $0xFFFFB000  }
0x25: {  	_ =	swait.ge [sflag:s23], $0x5000  }
0x26: {  	[sflag:s23] =	ssyncset.done $0x0  }
0x27: {  	[sflag:s23] =	ssyncadd.s32 $0xFFFFB000  }
0x28: {  	_ =	swait.ge [sflag:s23], $0x20  }
0x29: {  	[sflag:s23] =	ssyncset.done $0x0  }
0x2a: {  	[sflag:s23] =	ssyncadd.s32 $0xFFFFFFE0  }
0x2b: {  	_ =	swait.ge [sflag:s23], $0x20  }
0x2c: {  	[sflag:s23] =	ssyncset.done $0x0  }
0x2d: {  	[sflag:s23] =	ssyncadd.s32 $0xFFFFFFE0  }
0x2e: {  	_ =	swait.ge [sflag:s23], $0x9C4  }
0x2f: {  	[sflag:s23] =	ssyncset.done $0x0  }
0x30: {  	[sflag:s23] =	ssyncadd.s32 $0xFFFFF63C  }
0x31: {  	_ =	swait.ge [sflag:s23], $0x9E0  }
0x32: {  	[sflag:s23] =	ssyncset.done $0x0  }
0x33: {  	[sflag:s23] =	ssyncadd.s32 $0xFFFFF620  }
0x34: {  	s19 =	simm.s32 $0x9D60;
	[bflag:$0x0] =	sbarrier.arrive $0xFFFF  }
0x35: {  	[tilespmem:s25], [sflag:$0x1] =	stream.indirect.gather [spmem:s1], $0x20, s19, s24, $0xb8;
	[tilespmem:$0x1A000] =	vst v63  }
0x36: {  	_ =	swait.ge [sflag:s23], $0x1000  }
0x37: {  	[sflag:s23] =	ssyncset.done $0x0  }
0x38: {  	s20 =	simm.s32 $0xED60;
	[sflag:s23] =	ssyncadd.s32 $0xFFFFF000  }
0x39: {  	[spmem:s3] =	stream.indirect.scatter.add.f32 [tilespmem:s25], [sflag:$0x2], $0x20, s20, s24, $0xb8;
	[tilespmem:$0x1A000] =	vst v63  }
0x3a: {  	_ =	swait.ge [sflag:s26], $0x1000  }
0x3b: {  	s4 =	simm.s32 $0x80;
	s17 =	simm.s32 $0x400;
	[sflag:s26] =	ssyncset.done $0x0  }
.LBB2_2:
0x3c: {  	s18 =	sadd.s32 $0x9D60, s4  }
0x3d: {  	[sflag:s26] =	ssyncadd.s32 $0xFFFFF000;
	s19 =	smov.u32 s17;
	s20 =	sadd.s32 $0x200, s17  }
0x3e: {  	[tilespmem:s25], [sflag:$0x1] =	stream.indirect.gather [spmem:s1], $0x20, s18, s24, $0xb8;
	[tilespmem:$0x1A000] =	vst v63  }
0x3f: {  	p0 =	sne.s32 s17, $0x13E00;
	_ =	swait.ge [sflag:s23], $0x1000  }
.Ltmp0:
0x40: {  	[sflag:s23] =	ssyncset.done $0x0;
	(pc) =	sbr.rel @p0 .LBB2_2-.Ltmp0, $4  }
0x41: {  	s4 =	sadd.s32 $0xED60, s4;
	[sflag:s23] =	ssyncadd.s32 $0xFFFFF000  }
0x42: {  	[spmem:s3] =	stream.indirect.scatter.add.f32 [tilespmem:s25], [sflag:$0x2], $0x20, s4, s24, $0xb8;
	[tilespmem:$0x1A000] =	vst v63  }
0x43: {  	_ =	swait.ge [sflag:s26], $0x1000  }
0x44: {  	s17 =	smov.u32 s20;
	s4 =	sshra.s32 s19, $0x2;
	[sflag:s26] =	ssyncset.done $0x0  }
0x45: {  	s17 =	sadd.s32 $0x9D60, s4;
	[sflag:s26] =	ssyncadd.s32 $0xFFFFF000  }
0x46: {  	[tilespmem:s25], [sflag:$0x1] =	stream.indirect.gather [spmem:s1], $0x20, s17, s24, $0xb8;
	[tilespmem:$0x1A000] =	vst v63  }
0x47: {  	_ =	swait.ge [sflag:s23], $0x1000  }
0x48: {  	[sflag:s23] =	ssyncset.done $0x0  }
0x49: {  	s20 =	sadd.s32 $0xED60, s4;
	[sflag:s23] =	ssyncadd.s32 $0xFFFFF000  }
0x4a: {  	[spmem:s3] =	stream.indirect.scatter.add.f32 [tilespmem:s25], [sflag:$0x2], $0x20, s20, s24, $0xb8;
	[tilespmem:$0x1A000] =	vst v63  }
0x4b: {  	_ =	swait.ge [sflag:s26], $0x1000  }
0x4c: {  	[sflag:s26] =	ssyncset.done $0x0  }
0x4d: {  	[sflag:s26] =	ssyncadd.s32 $0xFFFFF000  }
0x4e: {  	[bflag:$0x0] =	sbarrier.arrive $0xFFFF  }
0x4f: {  	[tilespmem:s28], [sflag:$0x2] =	stream.linear.gather [spmem:s13], $0x4E20, $0x38;
	[tilespmem:$0x1A000] =	vst v63  }
0x50: {  	_ =	swait.ge [sflag:s26], $0x4E20  }
0x51: {  	[sflag:s26] =	ssyncset.done $0x0  }
0x52: {  	s4 =	simm.s32 $0x0;
	[sflag:s26] =	ssyncadd.s32 $0xFFFFB1E0  }
0x53: {  	v0 =	vld [tilespmem:s4+$0x14D60]  }
0x54: {  	v5 =	vld [tilespmem:s4+$0x14D70];
	_ =	sdelay $0x2  }
0x55: {  	v1 =	vimm.f32 $0.0e+00;
	v3 =	vimm.f32 $0.0e+00  }
0x56: {  	s18 =	simm.s32 $0x80;
	v2 =	vimm.f32 $0.0e+00;
	s17 =	simm.s32 $0x100;
	v4 =	vmax.f32 v0, $0.0e+00;
	v0 =	vimm.f32 $0.0e+00  }
.LBB2_4:
0x57: {  	p0 =	sne.s32 s17, $0x13800;
	s19 =	sshra.s32 s18, $0x2;
	v5 =	vmax.f32 v5, $0.0e+00;
	[tilespmem:s4+$0x14D60] =	vst v4;
	v1 =	vadd.f32 v4, v1;
	v4 =	vmul.f32 v4, v4;
	s18 =	smov.u32 s17  }
0x58: {  	v6 =	vld [tilespmem:s19+$0x14D60];
	[tilespmem:s4+$0x14D70] =	vst v5;
	v3 =	vadd.f32 v5, v3;
	v7 =	vmul.f32 v5, v5;
	s4 =	smov.u32 s19  }
.Ltmp1:
0x59: {  	v5 =	vld [tilespmem:s4+$0x14D70];
	v2 =	vadd.f32 v4, v2;
	(pc) =	sbr.rel @p0 .LBB2_4-.Ltmp1, $2  }
0x5a: {  	v0 =	vadd.f32 v7, v0;
	_ =	sdelay $0x2  }
0x5b: {  	s17 =	sadd.s32 $0x80, s17;
	v4 =	vmax.f32 v6, $0.0e+00  }
0x5c: {  	s17 =	sshra.s32 s18, $0x2;
	[tilespmem:s4+$0x14D60] =	vst v4;
	v5 =	vmax.f32 v5, $0.0e+00  }
0x5d: {  	v6 =	vld [tilespmem:s17+$0x14D60];
	[tilespmem:s4+$0x14D70] =	vst v5  }
0x5e: {  	v7 =	vld [tilespmem:s17+$0x14D70];
	_ =	sdelay $0x1  }
0x5f: {  	v8 =	vmul.f32 v4, v4  }
0x60: {  	v1 =	vadd.f32 v4, v1;
	v3 =	vadd.f32 v5, v3  }
0x61: {  	v4 =	vmul.f32 v5, v5;
	v2 =	vadd.f32 v8, v2;
	v5 =	vmax.f32 v6, $0.0e+00  }
0x62: {  	v6 =	vmax.f32 v7, $0.0e+00;
	[tilespmem:s17+$0x14D60] =	vst v5;
	v1 =	vadd.f32 v5, v1;
	v5 =	vmul.f32 v5, v5  }
0x63: {  	v0 =	vadd.f32 v4, v0;
	[tilespmem:s17+$0x14D70] =	vst v6;
	v3 =	vadd.f32 v6, v3;
	v4 =	vmul.f32 v6, v6  }
0x64: {  	v2 =	vadd.f32 v5, v2;
	[tilespmem:$0x19B80] =	vst v1  }
0x65: {  	v0 =	vadd.f32 v4, v0;
	[tilespmem:$0x19B90] =	vst v3  }
0x66: {  	[tilespmem:$0x19BA0] =	vst v2  }
0x67: {  	[tilespmem:$0x19BB0] =	vst v0  }
0x68: {  	[spmem:s14] =	stream.linear.scatter [tilespmem:s29], [sflag:$0x2], $0x40, $0x38;
	[tilespmem:$0x1A000] =	vst v63  }
0x69: {  	_ =	swait.ge [sflag:s26], $0x40  }
0x6a: {  	[sflag:s26] =	ssyncset.done $0x0  }
0x6b: {  	[sflag:s26] =	ssyncadd.s32 $0xFFFFFFC0  }
0x6c: {  	[bflag:$0x0] =	sbarrier.arrive $0xFFFF  }
0x6d: {  	s19 =	rddreg [dreg:$0x6]  }
0x6e: {  	[tilespmem:s30], [sflag:$0x2] =	stream.linear.gather [spmem:s19], $0x400, $0x38;
	[tilespmem:$0x1A000] =	vst v63  }
0x6f: {  	_ =	swait.ge [sflag:s26], $0x400  }
0x70: {  	[sflag:s26] =	ssyncset.done $0x0  }
0x71: {  	s20 =	simm.s32 $0x0;
	[sflag:s26] =	ssyncadd.s32 $0xFFFFFC00  }
0x72: {  	v1 =	vld [tilespmem:s20+$0x19BF0]  }
0x73: {  	v2 =	vld [tilespmem:s20+$0x19BC0]  }
0x74: {  	v7 =	vimm.f32 $0.0e+00;
	v3 =	vld [tilespmem:s20+$0x19BD0]  }
0x75: {  	s4 =	simm.s32 $0x100;
	v6 =	vimm.f32 $0.0e+00;
	v5 =	vimm.f32 $0.0e+00;
	v0 =	vimm.f32 $0.0e+00;
	v4 =	vld [tilespmem:s20+$0x19BE0]  }
.LBB2_6:
0x76: {  	p0 =	sne.s32 s4, $0xF00  }
.Ltmp2:
0x77: {  	s17 =	sshra.s32 s4, $0x2;
	s4 =	sadd.s32 $0x100, s4;
	v0 =	vadd.f32 v1, v0;
	(pc) =	sbr.rel @p0 .LBB2_6-.Ltmp2, $4  }
0x78: {  	v1 =	vld [tilespmem:s17+$0x19BF0];
	v5 =	vadd.f32 v2, v5  }
0x79: {  	v2 =	vld [tilespmem:s17+$0x19BC0];
	v6 =	vadd.f32 v3, v6  }
0x7a: {  	v3 =	vld [tilespmem:s17+$0x19BD0];
	v7 =	vadd.f32 v4, v7  }
0x7b: {  	v4 =	vld [tilespmem:s17+$0x19BE0]  }
0x7c: {  	_ =	sdelay $0x1  }
0x7d: {  	v2 =	vadd.f32 v2, v5  }
0x7e: {  	v3 =	vadd.f32 v3, v6  }
0x7f: {  	v4 =	vadd.f32 v4, v7;
	v2 =	vmul.f32 $9.999999740e-05, v2  }
0x80: {  	v0 =	vadd.f32 v1, v0;
	v3 =	vmul.f32 $9.999999740e-05, v3  }
0x81: {  	v1 =	vmul.f32 $9.999999740e-05, v4;
	v4 =	vmul.f32 v2, v2  }
0x82: {  	v0 =	vmul.f32 $9.999999740e-05, v0;
	v5 =	vmul.f32 v3, v3  }
0x83: {  	v1 =	vsub.f32 v1, v4  }
0x84: {  	v0 =	vsub.f32 v0, v5  }
0x85: {  	v1 =	vadd.f32 $9.999999740e-06, v1  }
0x86: {  	v0 =	vadd.f32 $9.999999740e-06, v0  }
0x87: {  	v4 =	vmul.f32 $5.000000000e-01, v1  }
0x88: {  	v1 =	vshra.s32 v1, $0x1;
	v5 =	vmul.f32 $5.000000000e-01, v0;
	v0 =	vshra.s32 v0, $0x1  }
0x89: {  	v1 =	vsub.s32 $0x5F3759DF, v1;
	v0 =	vsub.s32 $0x5F3759DF, v0  }
0x8a: {  	v6 =	vmul.f32 v1, v4;
	v7 =	vmul.f32 v0, v5;
	_ =	sdelay $0x1  }
0x8b: {  	v6 =	vmul.f32 v1, v6;
	v7 =	vmul.f32 v0, v7;
	_ =	sdelay $0x1  }
0x8c: {  	v6 =	vsub.f32 $1.500000000e+00, v6;
	v7 =	vsub.f32 $1.500000000e+00, v7;
	_ =	sdelay $0x1  }
0x8d: {  	v1 =	vmul.f32 v1, v6;
	v0 =	vmul.f32 v0, v7;
	_ =	sdelay $0x1  }
0x8e: {  	v6 =	vmul.f32 v1, v4;
	v7 =	vmul.f32 v0, v5;
	_ =	sdelay $0x1  }
0x8f: {  	v6 =	vmul.f32 v6, v1;
	v7 =	vmul.f32 v7, v0;
	_ =	sdelay $0x1  }
0x90: {  	v6 =	vsub.f32 $1.500000000e+00, v6;
	v7 =	vsub.f32 $1.500000000e+00, v7;
	_ =	sdelay $0x1  }
0x91: {  	v1 =	vmul.f32 v6, v1;
	v0 =	vmul.f32 v7, v0;
	_ =	sdelay $0x1  }
0x92: {  	v4 =	vmul.f32 v1, v4;
	v5 =	vmul.f32 v0, v5;
	_ =	sdelay $0x1  }
0x93: {  	v6 =	vld [tilespmem:$0x19FC0];
	v4 =	vmul.f32 v4, v1;
	v5 =	vmul.f32 v5, v0  }
0x94: {  	v7 =	vld [tilespmem:$0x19FD0]  }
0x95: {  	v4 =	vsub.f32 $1.500000000e+00, v4;
	v5 =	vsub.f32 $1.500000000e+00, v5;
	_ =	sdelay $0x1  }
0x96: {  	v8 =	vld [tilespmem:$0x19FF0];
	v1 =	vmul.f32 v4, v1;
	v4 =	vmul.f32 v5, v0  }
0x97: {  	v5 =	vld [tilespmem:$0x19FE0]  }
0x98: {  	v0 =	vmul.f32 v6, v1;
	v1 =	vmul.f32 v7, v4;
	_ =	sdelay $0x1  }
0x99: {  	v2 =	vmul.f32 v0, v2;
	v3 =	vmul.f32 v1, v3  }
0x9a: {  	s4 =	simm.s32 $0x0  }
0x9b: {  	s17 =	simm.s32 $0x80;
	v4 =	vld [tilespmem:s4+$0x14D60];
	v2 =	vsub.f32 v5, v2;
	v3 =	vsub.f32 v8, v3  }
.LBB2_8:
0x9c: {  	p0 =	sne.s32 s17, $0x13800;
	v5 =	vld [tilespmem:s4+$0x14D70];
	_ =	sdelay $0x3  }
0x9d: {  	v4 =	vmul.f32 v4, v0  }
.Ltmp3:
0x9e: {  	v5 =	vmul.f32 v5, v1;
	(pc) =	sbr.rel @p0 .LBB2_8-.Ltmp3, $4  }
0x9f: {  	v4 =	vadd.f32 v4, v2  }
0xa0: {  	v5 =	vadd.f32 v5, v3  }
0xa1: {  	s18 =	sshra.s32 s17, $0x2;
	[tilespmem:s4+$0x14D60] =	vst v4  }
0xa2: {  	s17 =	sadd.s32 $0x80, s17;
	v4 =	vld [tilespmem:s18+$0x14D60];
	[tilespmem:s4+$0x14D70] =	vst v5;
	s4 =	smov.u32 s18  }
0xa3: {  	v5 =	vld [tilespmem:s4+$0x14D70];
	_ =	sdelay $0x3  }
0xa4: {  	v0 =	vmul.f32 v4, v0  }
0xa5: {  	v1 =	vmul.f32 v5, v1  }
0xa6: {  	v0 =	vadd.f32 v0, v2  }
0xa7: {  	s2 =	sadd.s32 $0x1, s2;
	v1 =	vadd.f32 v1, v3  }
0xa8: {  	p0 =	sne.s32 s2, s16;
	[tilespmem:s4+$0x14D60] =	vst v0  }
.Ltmp4:
0xa9: {  	[tilespmem:s4+$0x14D70] =	vst v1;
	(pc) =	sbr.rel @p0 .LBB2_1-.Ltmp4, $4  }
0xaa: {  	[hbm4b:s15+s31] =	stream.strided.scatter [tilespmem:s28], [sflag:$0x2], $0x4E20, s0, s31, $0x38;
	[tilespmem:$0x1A000] =	vst v63  }
0xab: {  	_ =	swait.ge [sflag:s26], $0x4E20  }
0xac: {  	[sflag:s26] =	ssyncset.done $0x0  }
0xad: {  	[sflag:s26] =	ssyncadd.s32 $0xFFFFB1E0  }
0xae: {  	_ =	sfence.sel $0x180000  }
0xaf: {  	[bflag:$0x0] =	sbarrier.arrive $0xFFFF  }
0xb0: {  	_ =	strace $0x9000004A  }
0xb1: {  	s0 =	stileid.u32;
	[bflag:$0x2] =	sbarrier.arrive $0xFFFF  }
0xb2: {  	p0 =	sne.s32 s0, $0x0;
	s0 =	rddreg [dreg:$0x7]  }
0xb3: {  	s0 =	sadd.s32 @!p0 $0x100000, s0  }
0xb4: {  	[sflag:s0] =	ssyncadd.tile.s32 @!p0 $0x1;
	_ =	shalt  }
.Lfunc_end2:
_tile_overlayer_lowered:
.L_overlay_start_2:
0xb5: {  	(tag) =	ssettag $0x2  }
0xb6: {  	s0 =	rddreg [dreg:$0x0];
	s2 =	stileid.u32  }
0xb7: {  	s1 =	rddreg [dreg:$0x1];
	p0 =	sne.s32 s2, $0x0  }
0xb8: {  	s3 =	rddreg [dreg:$0x2];
	[bflag:$0x3] =	sbarrier.arrive $0xFFFF;
	s2 =	simm.s32 @!p0 $0x1C02  }
0xb9: {  	[timem:s3], [sflag:s2] =	dma.local @!p0 [hbm:s0], s1  }
0xba: {  	s0 =	simm.s32 @!p0 $0x2  }
0xbb: {  	_ =	swait.ge @!p0 [sflag:s0], s1  }
0xbc: {  	s1 =	ssub.s32 @!p0 $0x0, s1;
	[sflag:s0] =	ssyncset.done @!p0 $0x0  }
0xbd: {  	[sflag:s0] =	ssyncadd.s32 @!p0 s1  }
0xbe: {  	[bflag:$0x3] =	sbarrier.arrive $0xFFFF  }
0xbf: {  	_ =	shalt  }

</sc_bundles>
